<compile_context>
chip_gen: v7x
topology: tpu7x:2x2x1
jax: 0.10.2.dev20260603
libtpu: 0.0.44.dev20260713+nightly
codegen_flags: <defaults>
</compile_context>

<pallas_src>
import functools

import jax
import jax.numpy as jnp
from jax import lax
from jax.experimental import pallas as pl
from jax.experimental.pallas import tpu as pltpu
from jax.experimental.pallas import tpu_sc as plsc

B, T, N, E = 32, 64, 80, 2560
OUT, HID = 8, 24
G = B * T
NC, NS, L = 2, 16, 16
NW = NC * NS
GPW = G // NW
NCHUNK = E // L
NXC = N // L


def _gat_sc(xf, wf, edge_index, wn8, al8, ar8, we8, ae8):
    mesh = plsc.VectorSubcoreMesh(core_axis_name="c", subcore_axis_name="s")

    @functools.partial(
        pl.kernel, mesh=mesh,
        out_type=jax.ShapeDtypeStruct((G,), jnp.float32),
        scratch_types=[
            pltpu.VMEM((2, E), jnp.int32),
            pltpu.VMEM((GPW * N,), jnp.float32),
            pltpu.VMEM((2 * E,), jnp.float32),
            pltpu.VMEM((N,), jnp.float32),
            pltpu.VMEM((N,), jnp.float32),
            pltpu.VMEM((GPW,), jnp.float32),
            pltpu.VMEM((5 * L,), jnp.float32),
            pltpu.VMEM((N,), jnp.float32),
            pltpu.VMEM((N,), jnp.float32),
            pltpu.VMEM((E,), jnp.int32),
            pltpu.SemaphoreType.DMA,
            pltpu.SemaphoreType.DMA,
        ],
        compiler_params=pltpu.CompilerParams(needs_layout_passes=False),
    )
    def k(x_hbm, w_hbm, ei_hbm, wn_hbm, al_hbm, ar_hbm, we_hbm, ae_hbm,
          m_hbm, eiv, xblk, wbuf, denom, num, mout, wsc, xg, xrg, piv,
          sem0, sem1):
        wid = lax.axis_index("s") * NC + lax.axis_index("c")
        base = wid * GPW
        pltpu.sync_copy(ei_hbm, eiv)
        for j, ref in enumerate((wn_hbm, al_hbm, ar_hbm, we_hbm, ae_hbm)):
            pltpu.sync_copy(ref, wsc.at[pl.ds(j * L, OUT)])
        pltpu.sync_copy(x_hbm.at[pl.ds(base * N, GPW * N)], xblk)
        zero16 = jnp.zeros((L,), jnp.float32)
        izero = lax.iota(jnp.int32, L) * 0
        dn = lax.GatherDimensionNumbers(offset_dims=(), collapsed_slice_dims=(0,),
                                        start_index_map=(0,))

        def bfly_sum(v):
            for sh in (8, 4, 2, 1):
                idx = lax.iota(jnp.int32, L) ^ sh
                v = v + lax.gather(v, idx[:, None], dn, slice_sizes=(1,),
                                   mode=lax.GatherScatterMode.PROMISE_IN_BOUNDS)
            return v

        lane8 = lax.iota(jnp.int32, L) < OUT
        wn = wsc[pl.ds(0, L)]
        al = wsc[pl.ds(L, L)]
        ar = wsc[pl.ds(2 * L, L)]
        we = wsc[pl.ds(3 * L, L)]
        ae = wsc[pl.ds(4 * L, L)]
        cl = bfly_sum(jnp.where(lane8, wn * al, 0.0))
        cr = bfly_sum(jnp.where(lane8, wn * ar, 0.0))
        ce = bfly_sum(jnp.where(lane8, we * ae, 0.0))
        kcoef = jnp.abs(cl) + jnp.abs(cr)
        kbias = jnp.abs(ce)

        @plsc.parallel_loop(0, NCHUNK, 1, unroll=4)
        def pack_body(ci):
            sl = pl.ds(ci * L, L)
            piv[sl] = (eiv[1, sl] << 8) | eiv[0, sl]

        def process_graph(gi, wb):
            for cj in range(NXC):
                denom[pl.ds(cj * L, L)] = zero16
                num[pl.ds(cj * L, L)] = zero16
            gbase = gi * N
            amax = zero16
            for cj in range(NXC):
                sl = pl.ds(cj * L, L)
                v = xblk[pl.ds(gbase + cj * L, L)]
                xg[sl] = v
                xrg[sl] = cr * v
                amax = jnp.maximum(amax, jnp.abs(v))
            for sh in (8, 4, 2, 1):
                idx = lax.iota(jnp.int32, L) ^ sh
                amax = jnp.maximum(amax, lax.gather(
                    amax, idx[:, None], dn, slice_sizes=(1,),
                    mode=lax.GatherScatterMode.PROMISE_IN_BOUNDS))
            K = kcoef * amax + kbias

            @plsc.parallel_loop(0, NCHUNK, 1, unroll=8)
            def chunk_body(ci):
                sl = pl.ds(ci * L, L)
                pk = piv[sl]
                si = pk & 255
                di = pk >> 8
                xs = plsc.load_gather(xg, [si])
                xdr = plsc.load_gather(xrg, [di])
                wv = wbuf[pl.ds(wb * E + ci * L, L)]
                e = cl * xs + xdr + ce * wv
                e = jnp.maximum(e, 0.2 * e)
                p = jnp.exp(e - K)
                plsc.addupdate_scatter(denom, [di], p)
                plsc.addupdate_scatter(num, [di], p * xs)

            s = zero16
            for cj in range(NXC):
                sl = pl.ds(cj * L, L)
                s = s + num[sl] / (denom[sl] + 1e-9)
            for sh in (8, 4, 2, 1):
                idx = lax.iota(jnp.int32, L) ^ sh
                s = s + lax.gather(s, idx[:, None], dn, slice_sizes=(1,),
                                   mode=lax.GatherScatterMode.PROMISE_IN_BOUNDS)
            plsc.store_scatter(mout, [izero + gi], s * (1.0 / N))

        def wcopy(g, b, sem):
            return pltpu.make_async_copy(w_hbm.at[pl.ds(g * E, E)],
                                         wbuf.at[pl.ds(b * E, E)], sem)

        wcopy(base, 0, sem0).start()

        def pair_body(gp, _):
            g0 = 2 * gp
            wcopy(base + g0, 0, sem0).wait()
            wcopy(base + g0 + 1, 1, sem1).start()
            process_graph(g0, 0)
            wcopy(base + g0 + 1, 1, sem1).wait()

            @pl.when(gp + 1 < GPW // 2)
            def _prefetch():
                wcopy(base + g0 + 2, 0, sem0).start()

            process_graph(g0 + 1, 1)
            return _

        lax.fori_loop(0, GPW // 2, pair_body, 0)
        pltpu.sync_copy(mout, m_hbm.at[pl.ds(base, GPW)])

    return k(xf, wf, edge_index, wn8, al8, ar8, we8, ae8)


def _lstm_tc(m_tb1, wnode, wih, whh, gbias, bih, bhh, fcw, fcb, fccw, fccb):
    def body(m_ref, wn_ref, wih_ref, whh_ref, gb_ref, bih_ref, bhh_ref,
             fcw_ref, fcb_ref, fccw_ref, fccb_ref, out_ref):
        def dotT(a, b):
            return lax.dot_general(a, b, (((1,), (1,)), ((), ())),
                                   preferred_element_type=jnp.float32)

        def dot(a, b):
            return lax.dot_general(a, b, (((1,), (0,)), ((), ())),
                                   preferred_element_type=jnp.float32)

        wn = wn_ref[...]
        wih = wih_ref[...]
        whh = whh_ref[...]
        vbase = dotT(gb_ref[...], wih) + bih_ref[...] + bhh_ref[...]
        vfull = dotT(wn, wih)
        vi, vf, vg, vo = [vfull[:, j * HID:(j + 1) * HID] for j in range(4)]
        bi, bf, bg, bo = [vbase[:, j * HID:(j + 1) * HID] for j in range(4)]
        whhT = jnp.transpose(whh)
        wi, wf, wg, wo = [whhT[:, j * HID:(j + 1) * HID] for j in range(4)]
        m2 = lax.dot_general(fcw_ref[...], fccw_ref[...],
                             (((0,), (1,)), ((), ())),
                             preferred_element_type=jnp.float32)
        b2v = dotT(fcb_ref[...], fccw_ref[...]) + fccb_ref[...]

        def step(t, carry):
            h, c = carry
            op = dot(h, m2) + b2v

            @pl.when(t > 0)
            def _():
                out_ref[:, t - 1, :] = op

            mt = m_ref[t]
            i = jax.nn.sigmoid(mt * vi + bi + dot(h, wi))
            f = jax.nn.sigmoid(mt * vf + bf + dot(h, wf))
            g = jnp.tanh(mt * vg + bg + dot(h, wg))
            o = jax.nn.sigmoid(mt * vo + bo + dot(h, wo))
            c = f * c + i * g
            h = o * jnp.tanh(c)
            return (h, c)

        h0 = jnp.zeros((B, HID), jnp.float32)
        c0 = jnp.zeros((B, HID), jnp.float32)
        hT, _cT = lax.fori_loop(0, T, step, (h0, c0))
        out_ref[:, T - 1, :] = dot(hT, m2) + b2v

    return pl.pallas_call(
        body,
        out_shape=jax.ShapeDtypeStruct((B, T, 20), jnp.float32),
    )(m_tb1, wnode, wih, whh, gbias, bih, bhh, fcw, fcb, fccw, fccb)


def kernel(x, edge_index, edge_weight, W_node, a_l, a_r, W_edge, a_e,
           gat_bias, W_ih, W_hh, b_ih, b_hh, fc_W, fc_b, fcc_W, fcc_b):
    xf = x.reshape(G * N)
    wf = edge_weight.reshape(G * E)

    m = _gat_sc(xf, wf, edge_index, W_node.reshape(OUT), a_l, a_r,
                W_edge.reshape(OUT), a_e)

    m_tb1 = m.reshape(B, T).T.reshape(T, B, 1)
    out = _lstm_tc(m_tb1, W_node, W_ih, W_hh, gat_bias.reshape(1, OUT),
                   b_ih.reshape(1, 4 * HID), b_hh.reshape(1, 4 * HID),
                   fc_W, fc_b.reshape(1, -1), fcc_W,
                   fcc_b.reshape(1, -1))
    return out.reshape(G, 20)

# --- scband reference (transcript-rebuilt; emitter-appended) ---
"""Pipeline reference for scband-deep-air-1924145348954 (READ-ONLY COPY).

The authoritative reference and input builder live on the scoring server;
editing this copy changes nothing except your own understanding.
"""

import jax, jax.numpy as jnp
import numpy as np

B, T, N, E = 32, 64, 80, 2560
OUT, HID, NA, PH = 8, 24, 80, 2

def setup_inputs(seed: int = 0) -> dict:
    key = jax.random.key(seed)
    ks = jax.random.split(key, 20)
    x = jax.random.normal(ks[0], (B, T, N, 1), dtype=jnp.float32)
    edge_index = jax.random.randint(ks[1], (2, E), 0, N, dtype=jnp.int32)
    edge_weight = jax.random.uniform(ks[2], (B, T, E, 1), dtype=jnp.float32)
    s = 0.1
    W_node = jax.random.normal(ks[3], (1, OUT), dtype=jnp.float32) * s
    a_l = jax.random.normal(ks[4], (OUT,), dtype=jnp.float32) * s
    a_r = jax.random.normal(ks[5], (OUT,), dtype=jnp.float32) * s
    W_edge = jax.random.normal(ks[6], (1, OUT), dtype=jnp.float32) * s
    a_e = jax.random.normal(ks[7], (OUT,), dtype=jnp.float32) * s
    gat_bias = jnp.zeros((OUT,), dtype=jnp.float32)
    W_ih = jax.random.normal(ks[8], (4 * HID, OUT), dtype=jnp.float32) * s
    W_hh = jax.random.normal(ks[9], (4 * HID, HID), dtype=jnp.float32) * s
    b_ih = jnp.zeros((4 * HID,), dtype=jnp.float32)
    b_hh = jnp.zeros((4 * HID,), dtype=jnp.float32)
    fc_W = jax.random.normal(ks[10], (NA * PH, HID), dtype=jnp.float32) * s
    fc_b = jnp.zeros((NA * PH,), dtype=jnp.float32)
    fcc_W = jax.random.normal(ks[11], (20, 8 * 20), dtype=jnp.float32) * s
    fcc_b = jnp.zeros((20,), dtype=jnp.float32)
    return {"x": x, "edge_index": edge_index, "edge_weight": edge_weight,
            "W_node": W_node, "a_l": a_l, "a_r": a_r, "W_edge": W_edge,
            "a_e": a_e, "gat_bias": gat_bias, "W_ih": W_ih, "W_hh": W_hh,
            "b_ih": b_ih, "b_hh": b_hh, "fc_W": fc_W, "fc_b": fc_b,
            "fcc_W": fcc_W, "fcc_b": fcc_b}

def reference(x, edge_index, edge_weight, W_node, a_l, a_r, W_edge, a_e,
              gat_bias, W_ih, W_hh, b_ih, b_hh, fc_W, fc_b, fcc_W, fcc_b):
    src = edge_index[0]
    dst = edge_index[1]

    def gat(xg, wg):
        h = xg @ W_node                      # [N, 8]
        ef = wg @ W_edge                     # [E, 8]
        el = (h * a_l).sum(-1)               # [N]
        er = (h * a_r).sum(-1)               # [N]
        ee = (ef * a_e).sum(-1)              # [E]
        e = el[src] + er[dst] + ee
        e = jnp.where(e > 0, e, 0.2 * e)     # LeakyReLU(0.2)
        emax = jax.ops.segment_max(e, dst, num_segments=N)
        emax = jnp.where(jnp.isfinite(emax), emax, 0.0)
        emax = jax.lax.stop_gradient(emax)
        a = jnp.exp(e - emax[dst])
        denom = jax.ops.segment_sum(a, dst, num_segments=N)
        alpha = a / (denom[dst] + 1e-9)      # edge softmax over incoming edges
        msg = h[src] * alpha[:, None]
        out = jax.ops.segment_sum(msg, dst, num_segments=N) + gat_bias
        return out.mean(axis=0)              # graph mean-pool -> [8]

    xf = x.reshape(B * T, N, 1)
    wf = edge_weight.reshape(B * T, E, 1)
    feats = jax.vmap(gat)(xf, wf).reshape(B, T, OUT)
    # dropout(0.1) is identity in eval mode

    def step(carry, xt):
        h, c = carry
        gates = xt @ W_ih.T + h @ W_hh.T + b_ih + b_hh
        i, f, g, o = jnp.split(gates, 4, axis=-1)
        i = jax.nn.sigmoid(i)
        f = jax.nn.sigmoid(f)
        g = jnp.tanh(g)
        o = jax.nn.sigmoid(o)
        c = f * c + i * g
        h = o * jnp.tanh(c)
        return (h, c), h

    h0 = jnp.zeros((B, HID), dtype=x.dtype)
    c0 = jnp.zeros((B, HID), dtype=x.dtype)
    xs = jnp.swapaxes(feats, 0, 1)           # [T, B, 8]
    _, hs = jax.lax.scan(step, (h0, c0), xs)
    outputs = jnp.swapaxes(hs, 0, 1)         # [B, T, 24]
    out = outputs @ fc_W.T + fc_b            # [B, T, 160]
    out = out.reshape(-1, 8 * 20)            # [B*T, 160]
    out = out @ fcc_W.T + fcc_b              # [B*T, 20]
    return out

if __name__ == "__main__":
    import jax
    _d = setup_inputs()
    print(jax.jit(kernel)(*tuple(_d.values())))

</pallas_src>

<mosaic_0001>
#map = affine_map<(d0, d1) -> (0)>
#map1 = affine_map<(d0, d1) -> (0, 0)>
module attributes {stable_mosaic.version = 14 : i64} {
  func.func @k(%arg0: i32, %arg1: i32, %arg2: memref<163840xf32, #tpu.memory_space<hbm>>, %arg3: memref<5242880xf32, #tpu.memory_space<hbm>>, %arg4: memref<2x2560xi32, #tpu.memory_space<hbm>>, %arg5: memref<8xf32, #tpu.memory_space<hbm>>, %arg6: memref<8xf32, #tpu.memory_space<hbm>>, %arg7: memref<8xf32, #tpu.memory_space<hbm>>, %arg8: memref<8xf32, #tpu.memory_space<hbm>>, %arg9: memref<8xf32, #tpu.memory_space<hbm>>, %arg10: memref<2048xf32, #tpu.memory_space<hbm>>, %arg11: memref<2x2560xi32, #tpu.memory_space<vmem>>, %arg12: memref<5120xf32, #tpu.memory_space<vmem>>, %arg13: memref<5120xf32, #tpu.memory_space<vmem>>, %arg14: memref<80xf32, #tpu.memory_space<vmem>>, %arg15: memref<80xf32, #tpu.memory_space<vmem>>, %arg16: memref<64xf32, #tpu.memory_space<vmem>>, %arg17: memref<80xf32, #tpu.memory_space<vmem>>, %arg18: memref<80xf32, #tpu.memory_space<vmem>>, %arg19: memref<80xf32, #tpu.memory_space<vmem>>, %arg20: memref<2560xi32, #tpu.memory_space<vmem>>, %arg21: memref<!tpu.dma_semaphore, #tpu.memory_space<semaphore_mem>>, %arg22: memref<!tpu.dma_semaphore, #tpu.memory_space<semaphore_mem>>) attributes {dimension_semantics = [#tpu.dimension_semantics<core_parallel>, #tpu.dimension_semantics<subcore_parallel>], iteration_bounds = array<i64: 2, 16>, scalar_prefetch = 0 : i64, scratch_operands = 12 : i64, tpu.core_type = #tpu.core_type<sc_vector_subcore>, window_params = [{transform_indices = #map}, {transform_indices = #map}, {transform_indices = #map1}, {transform_indices = #map}, {transform_indices = #map}, {transform_indices = #map}, {transform_indices = #map}, {transform_indices = #map}, {transform_indices = #map}]} {
    %mul3A = arith.constant 2 : i32
    %mul3A_0 = arith.muli %arg1, %mul3A : i32
    %add3A = arith.addi %mul3A_0, %arg0 : i32
    %mul3A_1 = arith.constant 64 : i32
    %mul3A_2 = arith.muli %add3A, %mul3A_1 : i32
    "tpu.region"() ({
      %run_scoped3A = tpu.sem_alloc : memref<!tpu.dma_semaphore, #tpu.memory_space<semaphore_mem>>
      tpu.enqueue_dma source(%arg4 : memref<2x2560xi32, #tpu.memory_space<hbm>>) target(%arg11 : memref<2x2560xi32, #tpu.memory_space<vmem>>) target_semaphore(%run_scoped3A : memref<!tpu.dma_semaphore, #tpu.memory_space<semaphore_mem>>)
      tpu.wait_dma2 semaphore(%run_scoped3A : memref<!tpu.dma_semaphore, #tpu.memory_space<semaphore_mem>>) src(%arg4 : memref<2x2560xi32, #tpu.memory_space<hbm>>) dst(%arg11 : memref<2x2560xi32, #tpu.memory_space<vmem>>)
      tpu.yield
    }) : () -> ()
    "tpu.region"() ({
      %run_scoped3A = tpu.sem_alloc : memref<!tpu.dma_semaphore, #tpu.memory_space<semaphore_mem>>
      %dma_start3A_142 = arith.constant 0 : i32
      %dma_start3A_143 = tpu.memref_slice %arg17[%dma_start3A_142] : memref<80xf32, #tpu.memory_space<vmem>> -> memref<8xf32, #tpu.memory_space<vmem>>
      %dma_start3A_144 = arith.constant 0 : i32
      %dma_start3A_145 = tpu.memref_slice %arg17[%dma_start3A_144] : memref<80xf32, #tpu.memory_space<vmem>> -> memref<8xf32, #tpu.memory_space<vmem>>
      tpu.enqueue_dma source(%arg5 : memref<8xf32, #tpu.memory_space<hbm>>) target(%dma_start3A_145 : memref<8xf32, #tpu.memory_space<vmem>>) target_semaphore(%run_scoped3A : memref<!tpu.dma_semaphore, #tpu.memory_space<semaphore_mem>>)
      %dma_wait3A = arith.constant 0 : i32
      %dma_wait3A_146 = tpu.memref_slice %arg17[%dma_wait3A] : memref<80xf32, #tpu.memory_space<vmem>> -> memref<8xf32, #tpu.memory_space<vmem>>
      %dma_wait3A_147 = arith.constant 0 : i32
      %dma_wait3A_148 = tpu.memref_slice %arg17[%dma_wait3A_147] : memref<80xf32, #tpu.memory_space<vmem>> -> memref<8xf32, #tpu.memory_space<vmem>>
      tpu.wait_dma2 semaphore(%run_scoped3A : memref<!tpu.dma_semaphore, #tpu.memory_space<semaphore_mem>>) src(%arg5 : memref<8xf32, #tpu.memory_space<hbm>>) dst(%dma_wait3A_148 : memref<8xf32, #tpu.memory_space<vmem>>)
      tpu.yield
    }) : () -> ()
    "tpu.region"() ({
      %run_scoped3A = tpu.sem_alloc : memref<!tpu.dma_semaphore, #tpu.memory_space<semaphore_mem>>
      %dma_start3A_142 = arith.constant 16 : i32
      %dma_start3A_143 = tpu.memref_slice %arg17[%dma_start3A_142] : memref<80xf32, #tpu.memory_space<vmem>> -> memref<8xf32, #tpu.memory_space<vmem>>
      %dma_start3A_144 = arith.constant 16 : i32
      %dma_start3A_145 = tpu.memref_slice %arg17[%dma_start3A_144] : memref<80xf32, #tpu.memory_space<vmem>> -> memref<8xf32, #tpu.memory_space<vmem>>
      tpu.enqueue_dma source(%arg6 : memref<8xf32, #tpu.memory_space<hbm>>) target(%dma_start3A_145 : memref<8xf32, #tpu.memory_space<vmem>>) target_semaphore(%run_scoped3A : memref<!tpu.dma_semaphore, #tpu.memory_space<semaphore_mem>>)
      %dma_wait3A = arith.constant 16 : i32
      %dma_wait3A_146 = tpu.memref_slice %arg17[%dma_wait3A] : memref<80xf32, #tpu.memory_space<vmem>> -> memref<8xf32, #tpu.memory_space<vmem>>
      %dma_wait3A_147 = arith.constant 16 : i32
      %dma_wait3A_148 = tpu.memref_slice %arg17[%dma_wait3A_147] : memref<80xf32, #tpu.memory_space<vmem>> -> memref<8xf32, #tpu.memory_space<vmem>>
      tpu.wait_dma2 semaphore(%run_scoped3A : memref<!tpu.dma_semaphore, #tpu.memory_space<semaphore_mem>>) src(%arg6 : memref<8xf32, #tpu.memory_space<hbm>>) dst(%dma_wait3A_148 : memref<8xf32, #tpu.memory_space<vmem>>)
      tpu.yield
    }) : () -> ()
    "tpu.region"() ({
      %run_scoped3A = tpu.sem_alloc : memref<!tpu.dma_semaphore, #tpu.memory_space<semaphore_mem>>
      %dma_start3A_142 = arith.constant 32 : i32
      %dma_start3A_143 = tpu.memref_slice %arg17[%dma_start3A_142] : memref<80xf32, #tpu.memory_space<vmem>> -> memref<8xf32, #tpu.memory_space<vmem>>
      %dma_start3A_144 = arith.constant 32 : i32
      %dma_start3A_145 = tpu.memref_slice %arg17[%dma_start3A_144] : memref<80xf32, #tpu.memory_space<vmem>> -> memref<8xf32, #tpu.memory_space<vmem>>
      tpu.enqueue_dma source(%arg7 : memref<8xf32, #tpu.memory_space<hbm>>) target(%dma_start3A_145 : memref<8xf32, #tpu.memory_space<vmem>>) target_semaphore(%run_scoped3A : memref<!tpu.dma_semaphore, #tpu.memory_space<semaphore_mem>>)
      %dma_wait3A = arith.constant 32 : i32
      %dma_wait3A_146 = tpu.memref_slice %arg17[%dma_wait3A] : memref<80xf32, #tpu.memory_space<vmem>> -> memref<8xf32, #tpu.memory_space<vmem>>
      %dma_wait3A_147 = arith.constant 32 : i32
      %dma_wait3A_148 = tpu.memref_slice %arg17[%dma_wait3A_147] : memref<80xf32, #tpu.memory_space<vmem>> -> memref<8xf32, #tpu.memory_space<vmem>>
      tpu.wait_dma2 semaphore(%run_scoped3A : memref<!tpu.dma_semaphore, #tpu.memory_space<semaphore_mem>>) src(%arg7 : memref<8xf32, #tpu.memory_space<hbm>>) dst(%dma_wait3A_148 : memref<8xf32, #tpu.memory_space<vmem>>)
      tpu.yield
    }) : () -> ()
    "tpu.region"() ({
      %run_scoped3A = tpu.sem_alloc : memref<!tpu.dma_semaphore, #tpu.memory_space<semaphore_mem>>
      %dma_start3A_142 = arith.constant 48 : i32
      %dma_start3A_143 = tpu.memref_slice %arg17[%dma_start3A_142] : memref<80xf32, #tpu.memory_space<vmem>> -> memref<8xf32, #tpu.memory_space<vmem>>
      %dma_start3A_144 = arith.constant 48 : i32
      %dma_start3A_145 = tpu.memref_slice %arg17[%dma_start3A_144] : memref<80xf32, #tpu.memory_space<vmem>> -> memref<8xf32, #tpu.memory_space<vmem>>
      tpu.enqueue_dma source(%arg8 : memref<8xf32, #tpu.memory_space<hbm>>) target(%dma_start3A_145 : memref<8xf32, #tpu.memory_space<vmem>>) target_semaphore(%run_scoped3A : memref<!tpu.dma_semaphore, #tpu.memory_space<semaphore_mem>>)
      %dma_wait3A = arith.constant 48 : i32
      %dma_wait3A_146 = tpu.memref_slice %arg17[%dma_wait3A] : memref<80xf32, #tpu.memory_space<vmem>> -> memref<8xf32, #tpu.memory_space<vmem>>
      %dma_wait3A_147 = arith.constant 48 : i32
      %dma_wait3A_148 = tpu.memref_slice %arg17[%dma_wait3A_147] : memref<80xf32, #tpu.memory_space<vmem>> -> memref<8xf32, #tpu.memory_space<vmem>>
      tpu.wait_dma2 semaphore(%run_scoped3A : memref<!tpu.dma_semaphore, #tpu.memory_space<semaphore_mem>>) src(%arg8 : memref<8xf32, #tpu.memory_space<hbm>>) dst(%dma_wait3A_148 : memref<8xf32, #tpu.memory_space<vmem>>)
      tpu.yield
    }) : () -> ()
    "tpu.region"() ({
      %run_scoped3A = tpu.sem_alloc : memref<!tpu.dma_semaphore, #tpu.memory_space<semaphore_mem>>
      %dma_start3A_142 = arith.constant 64 : i32
      %dma_start3A_143 = tpu.memref_slice %arg17[%dma_start3A_142] : memref<80xf32, #tpu.memory_space<vmem>> -> memref<8xf32, #tpu.memory_space<vmem>>
      %dma_start3A_144 = arith.constant 64 : i32
      %dma_start3A_145 = tpu.memref_slice %arg17[%dma_start3A_144] : memref<80xf32, #tpu.memory_space<vmem>> -> memref<8xf32, #tpu.memory_space<vmem>>
      tpu.enqueue_dma source(%arg9 : memref<8xf32, #tpu.memory_space<hbm>>) target(%dma_start3A_145 : memref<8xf32, #tpu.memory_space<vmem>>) target_semaphore(%run_scoped3A : memref<!tpu.dma_semaphore, #tpu.memory_space<semaphore_mem>>)
      %dma_wait3A = arith.constant 64 : i32
      %dma_wait3A_146 = tpu.memref_slice %arg17[%dma_wait3A] : memref<80xf32, #tpu.memory_space<vmem>> -> memref<8xf32, #tpu.memory_space<vmem>>
      %dma_wait3A_147 = arith.constant 64 : i32
      %dma_wait3A_148 = tpu.memref_slice %arg17[%dma_wait3A_147] : memref<80xf32, #tpu.memory_space<vmem>> -> memref<8xf32, #tpu.memory_space<vmem>>
      tpu.wait_dma2 semaphore(%run_scoped3A : memref<!tpu.dma_semaphore, #tpu.memory_space<semaphore_mem>>) src(%arg9 : memref<8xf32, #tpu.memory_space<hbm>>) dst(%dma_wait3A_148 : memref<8xf32, #tpu.memory_space<vmem>>)
      tpu.yield
    }) : () -> ()
    %mul3A_3 = arith.constant 80 : i32
    %mul3A_4 = arith.muli %mul3A_2, %mul3A_3 : i32
    "tpu.region"() ({
      %run_scoped3A = tpu.sem_alloc : memref<!tpu.dma_semaphore, #tpu.memory_space<semaphore_mem>>
      %dma_start3A_142 = tpu.memref_slice %arg2[%mul3A_4] : memref<163840xf32, #tpu.memory_space<hbm>> -> memref<5120xf32, #tpu.memory_space<hbm>>
      %dma_start3A_143 = tpu.memref_slice %arg2[%mul3A_4] : memref<163840xf32, #tpu.memory_space<hbm>> -> memref<5120xf32, #tpu.memory_space<hbm>>
      tpu.enqueue_dma source(%dma_start3A_143 : memref<5120xf32, #tpu.memory_space<hbm>>) target(%arg12 : memref<5120xf32, #tpu.memory_space<vmem>>) target_semaphore(%run_scoped3A : memref<!tpu.dma_semaphore, #tpu.memory_space<semaphore_mem>>)
      %dma_wait3A = tpu.memref_slice %arg2[%mul3A_4] : memref<163840xf32, #tpu.memory_space<hbm>> -> memref<5120xf32, #tpu.memory_space<hbm>>
      %dma_wait3A_144 = tpu.memref_slice %arg2[%mul3A_4] : memref<163840xf32, #tpu.memory_space<hbm>> -> memref<5120xf32, #tpu.memory_space<hbm>>
      tpu.wait_dma2 semaphore(%run_scoped3A : memref<!tpu.dma_semaphore, #tpu.memory_space<semaphore_mem>>) src(%dma_wait3A_144 : memref<5120xf32, #tpu.memory_space<hbm>>) dst(%arg12 : memref<5120xf32, #tpu.memory_space<vmem>>)
      tpu.yield
    }) : () -> ()
    %broadcast_in_dim3A = arith.constant 0.000000e+00 : f32
    %broadcast_in_dim3A_5 = vector.broadcast %broadcast_in_dim3A : f32 to vector<16xf32>
    %iota3A = tpu.iota {dimensions = array<i32: 0>} : vector<16xi32>
    %mul3A_6 = arith.constant 0 : i32
    %mul3A_7 = vector.broadcast %mul3A_6 : i32 to vector<16xi32>
    %mul3A_8 = arith.muli %iota3A, %mul3A_7 : vector<16xi32>
    %iota3A_9 = tpu.iota {dimensions = array<i32: 0>} : vector<16xi32>
    %lt3A = arith.constant 8 : i32
    %lt3A_10 = vector.broadcast %lt3A : i32 to vector<16xi32>
    %lt3A_11 = arith.cmpi slt, %iota3A_9, %lt3A_10 : vector<16xi32>
    %get3A = arith.constant 0 : index
    %get3A_12 = tpu.vector_load %arg17[%get3A] {strides = array<i32>} : memref<80xf32, #tpu.memory_space<vmem>>, vector<16xf32>,
    %get3A_13 = arith.constant 16 : index
    %get3A_14 = tpu.vector_load %arg17[%get3A_13] {strides = array<i32>} : memref<80xf32, #tpu.memory_space<vmem>>, vector<16xf32>,
    %get3A_15 = arith.constant 32 : index
    %get3A_16 = tpu.vector_load %arg17[%get3A_15] {strides = array<i32>} : memref<80xf32, #tpu.memory_space<vmem>>, vector<16xf32>,
    %get3A_17 = arith.constant 48 : index
    %get3A_18 = tpu.vector_load %arg17[%get3A_17] {strides = array<i32>} : memref<80xf32, #tpu.memory_space<vmem>>, vector<16xf32>,
    %get3A_19 = arith.constant 64 : index
    %get3A_20 = tpu.vector_load %arg17[%get3A_19] {strides = array<i32>} : memref<80xf32, #tpu.memory_space<vmem>>, vector<16xf32>,
    %mul3A_21 = arith.mulf %get3A_12, %get3A_14 : vector<16xf32>
    %jit3A = arith.constant 0.000000e+00 : f32
    %broadcast_in_dim3A_22 = vector.broadcast %jit3A : f32 to vector<16xf32>
    %select_n3A = arith.select %lt3A_11, %mul3A_21, %broadcast_in_dim3A_22 : vector<16xi1>, vector<16xf32>
    %iota3A_23 = tpu.iota {dimensions = array<i32: 0>} : vector<16xi32>
    %xor3A = arith.constant 8 : i32
    %xor3A_24 = vector.broadcast %xor3A : i32 to vector<16xi32>
    %xor3A_25 = arith.xori %iota3A_23, %xor3A_24 : vector<16xi32>
    %broadcast_in_dim3A_26 = vector.shape_cast %xor3A_25 : vector<16xi32> to vector<16x1xi32>
    %gather3A = vector.shape_cast %broadcast_in_dim3A_26 : vector<16x1xi32> to vector<16xi32>
    %gather3A_27 = tpu.dynamic_gather %select_n3A[%gather3A] in [0] : vector<16xf32>, vector<16xi32> -> vector<16xf32>
    %add3A_28 = arith.addf %select_n3A, %gather3A_27 : vector<16xf32>
    %iota3A_29 = tpu.iota {dimensions = array<i32: 0>} : vector<16xi32>
    %xor3A_30 = arith.constant 4 : i32
    %xor3A_31 = vector.broadcast %xor3A_30 : i32 to vector<16xi32>
    %xor3A_32 = arith.xori %iota3A_29, %xor3A_31 : vector<16xi32>
    %broadcast_in_dim3A_33 = vector.shape_cast %xor3A_32 : vector<16xi32> to vector<16x1xi32>
    %gather3A_34 = vector.shape_cast %broadcast_in_dim3A_33 : vector<16x1xi32> to vector<16xi32>
    %gather3A_35 = tpu.dynamic_gather %add3A_28[%gather3A_34] in [0] : vector<16xf32>, vector<16xi32> -> vector<16xf32>
    %add3A_36 = arith.addf %add3A_28, %gather3A_35 : vector<16xf32>
    %iota3A_37 = tpu.iota {dimensions = array<i32: 0>} : vector<16xi32>
    %xor3A_38 = arith.constant 2 : i32
    %xor3A_39 = vector.broadcast %xor3A_38 : i32 to vector<16xi32>
    %xor3A_40 = arith.xori %iota3A_37, %xor3A_39 : vector<16xi32>
    %broadcast_in_dim3A_41 = vector.shape_cast %xor3A_40 : vector<16xi32> to vector<16x1xi32>
    %gather3A_42 = vector.shape_cast %broadcast_in_dim3A_41 : vector<16x1xi32> to vector<16xi32>
    %gather3A_43 = tpu.dynamic_gather %add3A_36[%gather3A_42] in [0] : vector<16xf32>, vector<16xi32> -> vector<16xf32>
    %add3A_44 = arith.addf %add3A_36, %gather3A_43 : vector<16xf32>
    %iota3A_45 = tpu.iota {dimensions = array<i32: 0>} : vector<16xi32>
    %xor3A_46 = arith.constant 1 : i32
    %xor3A_47 = vector.broadcast %xor3A_46 : i32 to vector<16xi32>
    %xor3A_48 = arith.xori %iota3A_45, %xor3A_47 : vector<16xi32>
    %broadcast_in_dim3A_49 = vector.shape_cast %xor3A_48 : vector<16xi32> to vector<16x1xi32>
    %gather3A_50 = vector.shape_cast %broadcast_in_dim3A_49 : vector<16x1xi32> to vector<16xi32>
    %gather3A_51 = tpu.dynamic_gather %add3A_44[%gather3A_50] in [0] : vector<16xf32>, vector<16xi32> -> vector<16xf32>
    %add3A_52 = arith.addf %add3A_44, %gather3A_51 : vector<16xf32>
    %mul3A_53 = arith.mulf %get3A_12, %get3A_16 : vector<16xf32>
    %jit3A_54 = arith.constant 0.000000e+00 : f32
    %broadcast_in_dim3A_55 = vector.broadcast %jit3A_54 : f32 to vector<16xf32>
    %select_n3A_56 = arith.select %lt3A_11, %mul3A_53, %broadcast_in_dim3A_55 : vector<16xi1>, vector<16xf32>
    %iota3A_57 = tpu.iota {dimensions = array<i32: 0>} : vector<16xi32>
    %xor3A_58 = arith.constant 8 : i32
    %xor3A_59 = vector.broadcast %xor3A_58 : i32 to vector<16xi32>
    %xor3A_60 = arith.xori %iota3A_57, %xor3A_59 : vector<16xi32>
    %broadcast_in_dim3A_61 = vector.shape_cast %xor3A_60 : vector<16xi32> to vector<16x1xi32>
    %gather3A_62 = vector.shape_cast %broadcast_in_dim3A_61 : vector<16x1xi32> to vector<16xi32>
    %gather3A_63 = tpu.dynamic_gather %select_n3A_56[%gather3A_62] in [0] : vector<16xf32>, vector<16xi32> -> vector<16xf32>
    %add3A_64 = arith.addf %select_n3A_56, %gather3A_63 : vector<16xf32>
    %iota3A_65 = tpu.iota {dimensions = array<i32: 0>} : vector<16xi32>
    %xor3A_66 = arith.constant 4 : i32
    %xor3A_67 = vector.broadcast %xor3A_66 : i32 to vector<16xi32>
    %xor3A_68 = arith.xori %iota3A_65, %xor3A_67 : vector<16xi32>
    %broadcast_in_dim3A_69 = vector.shape_cast %xor3A_68 : vector<16xi32> to vector<16x1xi32>
    %gather3A_70 = vector.shape_cast %broadcast_in_dim3A_69 : vector<16x1xi32> to vector<16xi32>
    %gather3A_71 = tpu.dynamic_gather %add3A_64[%gather3A_70] in [0] : vector<16xf32>, vector<16xi32> -> vector<16xf32>
    %add3A_72 = arith.addf %add3A_64, %gather3A_71 : vector<16xf32>
    %iota3A_73 = tpu.iota {dimensions = array<i32: 0>} : vector<16xi32>
    %xor3A_74 = arith.constant 2 : i32
    %xor3A_75 = vector.broadcast %xor3A_74 : i32 to vector<16xi32>
    %xor3A_76 = arith.xori %iota3A_73, %xor3A_75 : vector<16xi32>
    %broadcast_in_dim3A_77 = vector.shape_cast %xor3A_76 : vector<16xi32> to vector<16x1xi32>
    %gather3A_78 = vector.shape_cast %broadcast_in_dim3A_77 : vector<16x1xi32> to vector<16xi32>
    %gather3A_79 = tpu.dynamic_gather %add3A_72[%gather3A_78] in [0] : vector<16xf32>, vector<16xi32> -> vector<16xf32>
    %add3A_80 = arith.addf %add3A_72, %gather3A_79 : vector<16xf32>
    %iota3A_81 = tpu.iota {dimensions = array<i32: 0>} : vector<16xi32>
    %xor3A_82 = arith.constant 1 : i32
    %xor3A_83 = vector.broadcast %xor3A_82 : i32 to vector<16xi32>
    %xor3A_84 = arith.xori %iota3A_81, %xor3A_83 : vector<16xi32>
    %broadcast_in_dim3A_85 = vector.shape_cast %xor3A_84 : vector<16xi32> to vector<16x1xi32>
    %gather3A_86 = vector.shape_cast %broadcast_in_dim3A_85 : vector<16x1xi32> to vector<16xi32>
    %gather3A_87 = tpu.dynamic_gather %add3A_80[%gather3A_86] in [0] : vector<16xf32>, vector<16xi32> -> vector<16xf32>
    %add3A_88 = arith.addf %add3A_80, %gather3A_87 : vector<16xf32>
    %mul3A_89 = arith.mulf %get3A_18, %get3A_20 : vector<16xf32>
    %jit3A_90 = arith.constant 0.000000e+00 : f32
    %broadcast_in_dim3A_91 = vector.broadcast %jit3A_90 : f32 to vector<16xf32>
    %select_n3A_92 = arith.select %lt3A_11, %mul3A_89, %broadcast_in_dim3A_91 : vector<16xi1>, vector<16xf32>
    %iota3A_93 = tpu.iota {dimensions = array<i32: 0>} : vector<16xi32>
    %xor3A_94 = arith.constant 8 : i32
    %xor3A_95 = vector.broadcast %xor3A_94 : i32 to vector<16xi32>
    %xor3A_96 = arith.xori %iota3A_93, %xor3A_95 : vector<16xi32>
    %broadcast_in_dim3A_97 = vector.shape_cast %xor3A_96 : vector<16xi32> to vector<16x1xi32>
    %gather3A_98 = vector.shape_cast %broadcast_in_dim3A_97 : vector<16x1xi32> to vector<16xi32>
    %gather3A_99 = tpu.dynamic_gather %select_n3A_92[%gather3A_98] in [0] : vector<16xf32>, vector<16xi32> -> vector<16xf32>
    %add3A_100 = arith.addf %select_n3A_92, %gather3A_99 : vector<16xf32>
    %iota3A_101 = tpu.iota {dimensions = array<i32: 0>} : vector<16xi32>
    %xor3A_102 = arith.constant 4 : i32
    %xor3A_103 = vector.broadcast %xor3A_102 : i32 to vector<16xi32>
    %xor3A_104 = arith.xori %iota3A_101, %xor3A_103 : vector<16xi32>
    %broadcast_in_dim3A_105 = vector.shape_cast %xor3A_104 : vector<16xi32> to vector<16x1xi32>
    %gather3A_106 = vector.shape_cast %broadcast_in_dim3A_105 : vector<16x1xi32> to vector<16xi32>
    %gather3A_107 = tpu.dynamic_gather %add3A_100[%gather3A_106] in [0] : vector<16xf32>, vector<16xi32> -> vector<16xf32>
    %add3A_108 = arith.addf %add3A_100, %gather3A_107 : vector<16xf32>
    %iota3A_109 = tpu.iota {dimensions = array<i32: 0>} : vector<16xi32>
    %xor3A_110 = arith.constant 2 : i32
    %xor3A_111 = vector.broadcast %xor3A_110 : i32 to vector<16xi32>
    %xor3A_112 = arith.xori %iota3A_109, %xor3A_111 : vector<16xi32>
    %broadcast_in_dim3A_113 = vector.shape_cast %xor3A_112 : vector<16xi32> to vector<16x1xi32>
    %gather3A_114 = vector.shape_cast %broadcast_in_dim3A_113 : vector<16x1xi32> to vector<16xi32>
    %gather3A_115 = tpu.dynamic_gather %add3A_108[%gather3A_114] in [0] : vector<16xf32>, vector<16xi32> -> vector<16xf32>
    %add3A_116 = arith.addf %add3A_108, %gather3A_115 : vector<16xf32>
    %iota3A_117 = tpu.iota {dimensions = array<i32: 0>} : vector<16xi32>
    %xor3A_118 = arith.constant 1 : i32
    %xor3A_119 = vector.broadcast %xor3A_118 : i32 to vector<16xi32>
    %xor3A_120 = arith.xori %iota3A_117, %xor3A_119 : vector<16xi32>
    %broadcast_in_dim3A_121 = vector.shape_cast %xor3A_120 : vector<16xi32> to vector<16x1xi32>
    %gather3A_122 = vector.shape_cast %broadcast_in_dim3A_121 : vector<16x1xi32> to vector<16xi32>
    %gather3A_123 = tpu.dynamic_gather %add3A_116[%gather3A_122] in [0] : vector<16xf32>, vector<16xi32> -> vector<16xf32>
    %add3A_124 = arith.addf %add3A_116, %gather3A_123 : vector<16xf32>
    %abs3A = math.absf %add3A_52 : vector<16xf32>
    %abs3A_125 = math.absf %add3A_88 : vector<16xf32>
    %add3A_126 = arith.addf %abs3A, %abs3A_125 : vector<16xf32>
    %abs3A_127 = math.absf %add3A_124 : vector<16xf32>
    %parallel_loop3A = arith.constant 0 : i32
    %parallel_loop3A_128 = arith.constant 160 : i32
    %parallel_loop3A_129 = arith.constant 1 : i32
    scf.for %parallel_loop3A_142 = %parallel_loop3A to %parallel_loop3A_128 step %parallel_loop3A_129  : i32 {
      %parallel_loop3A_143 = arith.constant 16 : i32
      %parallel_loop3A_144 = arith.muli %parallel_loop3A_142, %parallel_loop3A_143 : i32
      %parallel_loop3A_145 = arith.constant 1 : i32
      %parallel_loop3A_146 = arith.index_cast %parallel_loop3A_145 : i32 to index
      %parallel_loop3A_147 = arith.index_cast %parallel_loop3A_144 : i32 to index
      %parallel_loop3A_148 = tpu.vector_load %arg11[%parallel_loop3A_146, %parallel_loop3A_147] {strides = array<i32>} : memref<2x2560xi32, #tpu.memory_space<vmem>>, vector<16xi32>,
      %parallel_loop3A_149 = arith.constant 8 : i32
      %parallel_loop3A_150 = vector.broadcast %parallel_loop3A_149 : i32 to vector<16xi32>
      %parallel_loop3A_151 = arith.shli %parallel_loop3A_148, %parallel_loop3A_150 : vector<16xi32>
      %parallel_loop3A_152 = arith.constant 0 : i32
      %parallel_loop3A_153 = arith.index_cast %parallel_loop3A_152 : i32 to index
      %parallel_loop3A_154 = arith.index_cast %parallel_loop3A_144 : i32 to index
      %parallel_loop3A_155 = tpu.vector_load %arg11[%parallel_loop3A_153, %parallel_loop3A_154] {strides = array<i32>} : memref<2x2560xi32, #tpu.memory_space<vmem>>, vector<16xi32>,
      %parallel_loop3A_156 = arith.ori %parallel_loop3A_151, %parallel_loop3A_155 : vector<16xi32>
      %parallel_loop3A_157 = arith.index_cast %parallel_loop3A_144 : i32 to index
      %parallel_loop3A_158 = tpu.vector_load %arg20[%parallel_loop3A_157] {strides = array<i32>} : memref<2560xi32, #tpu.memory_space<vmem>>, vector<16xi32>,
      tpu.vector_store %arg20[%parallel_loop3A_157], %parallel_loop3A_156 {strides = array<i32>} : memref<2560xi32, #tpu.memory_space<vmem>>, vector<16xi32>,
    } {sc.loop_unroll_factor = 4 : i64, sc.parallel_access}
    %mul3A_130 = arith.constant 2560 : i32
    %mul3A_131 = arith.muli %mul3A_2, %mul3A_130 : i32
    %dma_start3A = arith.constant 0 : i32
    %dma_start3A_132 = tpu.memref_slice %arg13[%dma_start3A] : memref<5120xf32, #tpu.memory_space<vmem>> -> memref<2560xf32, #tpu.memory_space<vmem>>
    %dma_start3A_133 = tpu.memref_slice %arg3[%mul3A_131] : memref<5242880xf32, #tpu.memory_space<hbm>> -> memref<2560xf32, #tpu.memory_space<hbm>>
    %dma_start3A_134 = arith.constant 0 : i32
    %dma_start3A_135 = tpu.memref_slice %arg13[%dma_start3A_134] : memref<5120xf32, #tpu.memory_space<vmem>> -> memref<2560xf32, #tpu.memory_space<vmem>>
    %dma_start3A_136 = tpu.memref_slice %arg3[%mul3A_131] : memref<5242880xf32, #tpu.memory_space<hbm>> -> memref<2560xf32, #tpu.memory_space<hbm>>
    tpu.enqueue_dma source(%dma_start3A_136 : memref<2560xf32, #tpu.memory_space<hbm>>) target(%dma_start3A_135 : memref<2560xf32, #tpu.memory_space<vmem>>) target_semaphore(%arg21 : memref<!tpu.dma_semaphore, #tpu.memory_space<semaphore_mem>>)
    %scan3A = arith.constant 0 : i32
    %scan3A_137 = arith.constant 0 : i32
    %scan3A_138 = arith.constant 32 : i32
    %scan3A_139 = arith.addi %scan3A_137, %scan3A_138 : i32
    %scan3A_140 = arith.constant 1 : i32
    scf.for %scan3A_142 = %scan3A_137 to %scan3A_139 step %scan3A_140  : i32 {
      %mul3A_143 = arith.constant 2 : i32
      %mul3A_144 = arith.muli %mul3A_143, %scan3A_142 : i32
      %add3A_145 = arith.addi %mul3A_2, %mul3A_144 : i32
      %mul3A_146 = arith.constant 2560 : i32
      %mul3A_147 = arith.muli %add3A_145, %mul3A_146 : i32
      %dma_wait3A = arith.constant 0 : i32
      %dma_wait3A_148 = tpu.memref_slice %arg13[%dma_wait3A] : memref<5120xf32, #tpu.memory_space<vmem>> -> memref<2560xf32, #tpu.memory_space<vmem>>
      %dma_wait3A_149 = tpu.memref_slice %arg3[%mul3A_147] : memref<5242880xf32, #tpu.memory_space<hbm>> -> memref<2560xf32, #tpu.memory_space<hbm>>
      %dma_wait3A_150 = arith.constant 0 : i32
      %dma_wait3A_151 = tpu.memref_slice %arg13[%dma_wait3A_150] : memref<5120xf32, #tpu.memory_space<vmem>> -> memref<2560xf32, #tpu.memory_space<vmem>>
      %dma_wait3A_152 = tpu.memref_slice %arg3[%mul3A_147] : memref<5242880xf32, #tpu.memory_space<hbm>> -> memref<2560xf32, #tpu.memory_space<hbm>>
      tpu.wait_dma2 semaphore(%arg21 : memref<!tpu.dma_semaphore, #tpu.memory_space<semaphore_mem>>) src(%dma_wait3A_152 : memref<2560xf32, #tpu.memory_space<hbm>>) dst(%dma_wait3A_151 : memref<2560xf32, #tpu.memory_space<vmem>>)
      %add3A_153 = arith.addi %mul3A_2, %mul3A_144 : i32
      %add3A_154 = arith.constant 1 : i32
      %add3A_155 = arith.addi %add3A_153, %add3A_154 : i32
      %mul3A_156 = arith.constant 2560 : i32
      %mul3A_157 = arith.muli %add3A_155, %mul3A_156 : i32
      %dma_start3A_158 = arith.constant 2560 : i32
      %dma_start3A_159 = tpu.memref_slice %arg13[%dma_start3A_158] : memref<5120xf32, #tpu.memory_space<vmem>> -> memref<2560xf32, #tpu.memory_space<vmem>>
      %dma_start3A_160 = tpu.memref_slice %arg3[%mul3A_157] : memref<5242880xf32, #tpu.memory_space<hbm>> -> memref<2560xf32, #tpu.memory_space<hbm>>
      %dma_start3A_161 = arith.constant 2560 : i32
      %dma_start3A_162 = tpu.memref_slice %arg13[%dma_start3A_161] : memref<5120xf32, #tpu.memory_space<vmem>> -> memref<2560xf32, #tpu.memory_space<vmem>>
      %dma_start3A_163 = tpu.memref_slice %arg3[%mul3A_157] : memref<5242880xf32, #tpu.memory_space<hbm>> -> memref<2560xf32, #tpu.memory_space<hbm>>
      tpu.enqueue_dma source(%dma_start3A_163 : memref<2560xf32, #tpu.memory_space<hbm>>) target(%dma_start3A_162 : memref<2560xf32, #tpu.memory_space<vmem>>) target_semaphore(%arg22 : memref<!tpu.dma_semaphore, #tpu.memory_space<semaphore_mem>>)
      %swap3A = arith.constant 0 : index
      %swap3A_164 = tpu.vector_load %arg14[%swap3A] {strides = array<i32>} : memref<80xf32, #tpu.memory_space<vmem>>, vector<16xf32>,
      tpu.vector_store %arg14[%swap3A], %broadcast_in_dim3A_5 {strides = array<i32>} : memref<80xf32, #tpu.memory_space<vmem>>, vector<16xf32>,
      %swap3A_165 = arith.constant 0 : index
      %swap3A_166 = tpu.vector_load %arg15[%swap3A_165] {strides = array<i32>} : memref<80xf32, #tpu.memory_space<vmem>>, vector<16xf32>,
      tpu.vector_store %arg15[%swap3A_165], %broadcast_in_dim3A_5 {strides = array<i32>} : memref<80xf32, #tpu.memory_space<vmem>>, vector<16xf32>,
      %swap3A_167 = arith.constant 16 : index
      %swap3A_168 = tpu.vector_load %arg14[%swap3A_167] {strides = array<i32>} : memref<80xf32, #tpu.memory_space<vmem>>, vector<16xf32>,
      tpu.vector_store %arg14[%swap3A_167], %broadcast_in_dim3A_5 {strides = array<i32>} : memref<80xf32, #tpu.memory_space<vmem>>, vector<16xf32>,
      %swap3A_169 = arith.constant 16 : index
      %swap3A_170 = tpu.vector_load %arg15[%swap3A_169] {strides = array<i32>} : memref<80xf32, #tpu.memory_space<vmem>>, vector<16xf32>,
      tpu.vector_store %arg15[%swap3A_169], %broadcast_in_dim3A_5 {strides = array<i32>} : memref<80xf32, #tpu.memory_space<vmem>>, vector<16xf32>,
      %swap3A_171 = arith.constant 32 : index
      %swap3A_172 = tpu.vector_load %arg14[%swap3A_171] {strides = array<i32>} : memref<80xf32, #tpu.memory_space<vmem>>, vector<16xf32>,
      tpu.vector_store %arg14[%swap3A_171], %broadcast_in_dim3A_5 {strides = array<i32>} : memref<80xf32, #tpu.memory_space<vmem>>, vector<16xf32>,
      %swap3A_173 = arith.constant 32 : index
      %swap3A_174 = tpu.vector_load %arg15[%swap3A_173] {strides = array<i32>} : memref<80xf32, #tpu.memory_space<vmem>>, vector<16xf32>,
      tpu.vector_store %arg15[%swap3A_173], %broadcast_in_dim3A_5 {strides = array<i32>} : memref<80xf32, #tpu.memory_space<vmem>>, vector<16xf32>,
      %swap3A_175 = arith.constant 48 : index
      %swap3A_176 = tpu.vector_load %arg14[%swap3A_175] {strides = array<i32>} : memref<80xf32, #tpu.memory_space<vmem>>, vector<16xf32>,
      tpu.vector_store %arg14[%swap3A_175], %broadcast_in_dim3A_5 {strides = array<i32>} : memref<80xf32, #tpu.memory_space<vmem>>, vector<16xf32>,
      %swap3A_177 = arith.constant 48 : index
      %swap3A_178 = tpu.vector_load %arg15[%swap3A_177] {strides = array<i32>} : memref<80xf32, #tpu.memory_space<vmem>>, vector<16xf32>,
      tpu.vector_store %arg15[%swap3A_177], %broadcast_in_dim3A_5 {strides = array<i32>} : memref<80xf32, #tpu.memory_space<vmem>>, vector<16xf32>,
      %swap3A_179 = arith.constant 64 : index
      %swap3A_180 = tpu.vector_load %arg14[%swap3A_179] {strides = array<i32>} : memref<80xf32, #tpu.memory_space<vmem>>, vector<16xf32>,
      tpu.vector_store %arg14[%swap3A_179], %broadcast_in_dim3A_5 {strides = array<i32>} : memref<80xf32, #tpu.memory_space<vmem>>, vector<16xf32>,
      %swap3A_181 = arith.constant 64 : index
      %swap3A_182 = tpu.vector_load %arg15[%swap3A_181] {strides = array<i32>} : memref<80xf32, #tpu.memory_space<vmem>>, vector<16xf32>,
      tpu.vector_store %arg15[%swap3A_181], %broadcast_in_dim3A_5 {strides = array<i32>} : memref<80xf32, #tpu.memory_space<vmem>>, vector<16xf32>,
      %mul3A_183 = arith.constant 80 : i32
      %mul3A_184 = arith.muli %mul3A_144, %mul3A_183 : i32
      %add3A_185 = arith.constant 0 : i32
      %add3A_186 = arith.addi %mul3A_184, %add3A_185 : i32
      %get3A_187 = arith.index_cast %add3A_186 : i32 to index
      %get3A_188 = tpu.vector_load %arg12[%get3A_187] {strides = array<i32>} : memref<5120xf32, #tpu.memory_space<vmem>>, vector<16xf32>,
      %swap3A_189 = arith.constant 0 : index
      %swap3A_190 = tpu.vector_load %arg18[%swap3A_189] {strides = array<i32>} : memref<80xf32, #tpu.memory_space<vmem>>, vector<16xf32>,
      tpu.vector_store %arg18[%swap3A_189], %get3A_188 {strides = array<i32>} : memref<80xf32, #tpu.memory_space<vmem>>, vector<16xf32>,
      %mul3A_191 = arith.mulf %add3A_88, %get3A_188 : vector<16xf32>
      %swap3A_192 = arith.constant 0 : index
      %swap3A_193 = tpu.vector_load %arg19[%swap3A_192] {strides = array<i32>} : memref<80xf32, #tpu.memory_space<vmem>>, vector<16xf32>,
      tpu.vector_store %arg19[%swap3A_192], %mul3A_191 {strides = array<i32>} : memref<80xf32, #tpu.memory_space<vmem>>, vector<16xf32>,
      %abs3A_194 = math.absf %get3A_188 : vector<16xf32>
      %max3A = arith.maximumf %broadcast_in_dim3A_5, %abs3A_194 : vector<16xf32>
      %add3A_195 = arith.constant 16 : i32
      %add3A_196 = arith.addi %mul3A_184, %add3A_195 : i32
      %get3A_197 = arith.index_cast %add3A_196 : i32 to index
      %get3A_198 = tpu.vector_load %arg12[%get3A_197] {strides = array<i32>} : memref<5120xf32, #tpu.memory_space<vmem>>, vector<16xf32>,
      %swap3A_199 = arith.constant 16 : index
      %swap3A_200 = tpu.vector_load %arg18[%swap3A_199] {strides = array<i32>} : memref<80xf32, #tpu.memory_space<vmem>>, vector<16xf32>,
      tpu.vector_store %arg18[%swap3A_199], %get3A_198 {strides = array<i32>} : memref<80xf32, #tpu.memory_space<vmem>>, vector<16xf32>,
      %mul3A_201 = arith.mulf %add3A_88, %get3A_198 : vector<16xf32>
      %swap3A_202 = arith.constant 16 : index
      %swap3A_203 = tpu.vector_load %arg19[%swap3A_202] {strides = array<i32>} : memref<80xf32, #tpu.memory_space<vmem>>, vector<16xf32>,
      tpu.vector_store %arg19[%swap3A_202], %mul3A_201 {strides = array<i32>} : memref<80xf32, #tpu.memory_space<vmem>>, vector<16xf32>,
      %abs3A_204 = math.absf %get3A_198 : vector<16xf32>
      %max3A_205 = arith.maximumf %max3A, %abs3A_204 : vector<16xf32>
      %add3A_206 = arith.constant 32 : i32
      %add3A_207 = arith.addi %mul3A_184, %add3A_206 : i32
      %get3A_208 = arith.index_cast %add3A_207 : i32 to index
      %get3A_209 = tpu.vector_load %arg12[%get3A_208] {strides = array<i32>} : memref<5120xf32, #tpu.memory_space<vmem>>, vector<16xf32>,
      %swap3A_210 = arith.constant 32 : index
      %swap3A_211 = tpu.vector_load %arg18[%swap3A_210] {strides = array<i32>} : memref<80xf32, #tpu.memory_space<vmem>>, vector<16xf32>,
      tpu.vector_store %arg18[%swap3A_210], %get3A_209 {strides = array<i32>} : memref<80xf32, #tpu.memory_space<vmem>>, vector<16xf32>,
      %mul3A_212 = arith.mulf %add3A_88, %get3A_209 : vector<16xf32>
      %swap3A_213 = arith.constant 32 : index
      %swap3A_214 = tpu.vector_load %arg19[%swap3A_213] {strides = array<i32>} : memref<80xf32, #tpu.memory_space<vmem>>, vector<16xf32>,
      tpu.vector_store %arg19[%swap3A_213], %mul3A_212 {strides = array<i32>} : memref<80xf32, #tpu.memory_space<vmem>>, vector<16xf32>,
      %abs3A_215 = math.absf %get3A_209 : vector<16xf32>
      %max3A_216 = arith.maximumf %max3A_205, %abs3A_215 : vector<16xf32>
      %add3A_217 = arith.constant 48 : i32
      %add3A_218 = arith.addi %mul3A_184, %add3A_217 : i32
      %get3A_219 = arith.index_cast %add3A_218 : i32 to index
      %get3A_220 = tpu.vector_load %arg12[%get3A_219] {strides = array<i32>} : memref<5120xf32, #tpu.memory_space<vmem>>, vector<16xf32>,
      %swap3A_221 = arith.constant 48 : index
      %swap3A_222 = tpu.vector_load %arg18[%swap3A_221] {strides = array<i32>} : memref<80xf32, #tpu.memory_space<vmem>>, vector<16xf32>,
      tpu.vector_store %arg18[%swap3A_221], %get3A_220 {strides = array<i32>} : memref<80xf32, #tpu.memory_space<vmem>>, vector<16xf32>,
      %mul3A_223 = arith.mulf %add3A_88, %get3A_220 : vector<16xf32>
      %swap3A_224 = arith.constant 48 : index
      %swap3A_225 = tpu.vector_load %arg19[%swap3A_224] {strides = array<i32>} : memref<80xf32, #tpu.memory_space<vmem>>, vector<16xf32>,
      tpu.vector_store %arg19[%swap3A_224], %mul3A_223 {strides = array<i32>} : memref<80xf32, #tpu.memory_space<vmem>>, vector<16xf32>,
      %abs3A_226 = math.absf %get3A_220 : vector<16xf32>
      %max3A_227 = arith.maximumf %max3A_216, %abs3A_226 : vector<16xf32>
      %add3A_228 = arith.constant 64 : i32
      %add3A_229 = arith.addi %mul3A_184, %add3A_228 : i32
      %get3A_230 = arith.index_cast %add3A_229 : i32 to index
      %get3A_231 = tpu.vector_load %arg12[%get3A_230] {strides = array<i32>} : memref<5120xf32, #tpu.memory_space<vmem>>, vector<16xf32>,
      %swap3A_232 = arith.constant 64 : index
      %swap3A_233 = tpu.vector_load %arg18[%swap3A_232] {strides = array<i32>} : memref<80xf32, #tpu.memory_space<vmem>>, vector<16xf32>,
      tpu.vector_store %arg18[%swap3A_232], %get3A_231 {strides = array<i32>} : memref<80xf32, #tpu.memory_space<vmem>>, vector<16xf32>,
      %mul3A_234 = arith.mulf %add3A_88, %get3A_231 : vector<16xf32>
      %swap3A_235 = arith.constant 64 : index
      %swap3A_236 = tpu.vector_load %arg19[%swap3A_235] {strides = array<i32>} : memref<80xf32, #tpu.memory_space<vmem>>, vector<16xf32>,
      tpu.vector_store %arg19[%swap3A_235], %mul3A_234 {strides = array<i32>} : memref<80xf32, #tpu.memory_space<vmem>>, vector<16xf32>,
      %abs3A_237 = math.absf %get3A_231 : vector<16xf32>
      %max3A_238 = arith.maximumf %max3A_227, %abs3A_237 : vector<16xf32>
      %iota3A_239 = tpu.iota {dimensions = array<i32: 0>} : vector<16xi32>
      %xor3A_240 = arith.constant 8 : i32
      %xor3A_241 = vector.broadcast %xor3A_240 : i32 to vector<16xi32>
      %xor3A_242 = arith.xori %iota3A_239, %xor3A_241 : vector<16xi32>
      %broadcast_in_dim3A_243 = vector.shape_cast %xor3A_242 : vector<16xi32> to vector<16x1xi32>
      %gather3A_244 = vector.shape_cast %broadcast_in_dim3A_243 : vector<16x1xi32> to vector<16xi32>
      %gather3A_245 = tpu.dynamic_gather %max3A_238[%gather3A_244] in [0] : vector<16xf32>, vector<16xi32> -> vector<16xf32>
      %max3A_246 = arith.maximumf %max3A_238, %gather3A_245 : vector<16xf32>
      %iota3A_247 = tpu.iota {dimensions = array<i32: 0>} : vector<16xi32>
      %xor3A_248 = arith.constant 4 : i32
      %xor3A_249 = vector.broadcast %xor3A_248 : i32 to vector<16xi32>
      %xor3A_250 = arith.xori %iota3A_247, %xor3A_249 : vector<16xi32>
      %broadcast_in_dim3A_251 = vector.shape_cast %xor3A_250 : vector<16xi32> to vector<16x1xi32>
      %gather3A_252 = vector.shape_cast %broadcast_in_dim3A_251 : vector<16x1xi32> to vector<16xi32>
      %gather3A_253 = tpu.dynamic_gather %max3A_246[%gather3A_252] in [0] : vector<16xf32>, vector<16xi32> -> vector<16xf32>
      %max3A_254 = arith.maximumf %max3A_246, %gather3A_253 : vector<16xf32>
      %iota3A_255 = tpu.iota {dimensions = array<i32: 0>} : vector<16xi32>
      %xor3A_256 = arith.constant 2 : i32
      %xor3A_257 = vector.broadcast %xor3A_256 : i32 to vector<16xi32>
      %xor3A_258 = arith.xori %iota3A_255, %xor3A_257 : vector<16xi32>
      %broadcast_in_dim3A_259 = vector.shape_cast %xor3A_258 : vector<16xi32> to vector<16x1xi32>
      %gather3A_260 = vector.shape_cast %broadcast_in_dim3A_259 : vector<16x1xi32> to vector<16xi32>
      %gather3A_261 = tpu.dynamic_gather %max3A_254[%gather3A_260] in [0] : vector<16xf32>, vector<16xi32> -> vector<16xf32>
      %max3A_262 = arith.maximumf %max3A_254, %gather3A_261 : vector<16xf32>
      %iota3A_263 = tpu.iota {dimensions = array<i32: 0>} : vector<16xi32>
      %xor3A_264 = arith.constant 1 : i32
      %xor3A_265 = vector.broadcast %xor3A_264 : i32 to vector<16xi32>
      %xor3A_266 = arith.xori %iota3A_263, %xor3A_265 : vector<16xi32>
      %broadcast_in_dim3A_267 = vector.shape_cast %xor3A_266 : vector<16xi32> to vector<16x1xi32>
      %gather3A_268 = vector.shape_cast %broadcast_in_dim3A_267 : vector<16x1xi32> to vector<16xi32>
      %gather3A_269 = tpu.dynamic_gather %max3A_262[%gather3A_268] in [0] : vector<16xf32>, vector<16xi32> -> vector<16xf32>
      %max3A_270 = arith.maximumf %max3A_262, %gather3A_269 : vector<16xf32>
      %mul3A_271 = arith.mulf %add3A_126, %max3A_270 : vector<16xf32>
      %add3A_272 = arith.addf %mul3A_271, %abs3A_127 : vector<16xf32>
      %parallel_loop3A_273 = arith.constant 0 : i32
      %parallel_loop3A_274 = arith.constant 160 : i32
      %parallel_loop3A_275 = arith.constant 1 : i32
      scf.for %parallel_loop3A_571 = %parallel_loop3A_273 to %parallel_loop3A_274 step %parallel_loop3A_275  : i32 {
        %parallel_loop3A_572 = arith.constant 16 : i32
        %parallel_loop3A_573 = arith.muli %parallel_loop3A_571, %parallel_loop3A_572 : i32
        %parallel_loop3A_574 = arith.index_cast %parallel_loop3A_573 : i32 to index
        %parallel_loop3A_575 = tpu.vector_load %arg20[%parallel_loop3A_574] {strides = array<i32>} : memref<2560xi32, #tpu.memory_space<vmem>>, vector<16xi32>,
        %parallel_loop3A_576 = arith.constant 255 : i32
        %parallel_loop3A_577 = vector.broadcast %parallel_loop3A_576 : i32 to vector<16xi32>
        %parallel_loop3A_578 = arith.andi %parallel_loop3A_575, %parallel_loop3A_577 : vector<16xi32>
        %parallel_loop3A_579 = arith.constant 8 : i32
        %parallel_loop3A_580 = vector.broadcast %parallel_loop3A_579 : i32 to vector<16xi32>
        %parallel_loop3A_581 = arith.shrsi %parallel_loop3A_575, %parallel_loop3A_580 : vector<16xi32>
        %parallel_loop3A_582 = tpu.vector_load_idx %arg18[%parallel_loop3A_578] : memref<80xf32, #tpu.memory_space<vmem>>[vector<16xi32>], vector<16xf32>,
        %parallel_loop3A_583 = tpu.vector_load_idx %arg19[%parallel_loop3A_581] : memref<80xf32, #tpu.memory_space<vmem>>[vector<16xi32>], vector<16xf32>,
        %parallel_loop3A_584 = arith.constant 16 : i32
        %parallel_loop3A_585 = arith.muli %parallel_loop3A_571, %parallel_loop3A_584 : i32
        %parallel_loop3A_586 = arith.constant 0 : i32
        %parallel_loop3A_587 = arith.addi %parallel_loop3A_586, %parallel_loop3A_585 : i32
        %parallel_loop3A_588 = arith.index_cast %parallel_loop3A_587 : i32 to index
        %parallel_loop3A_589 = tpu.vector_load %arg13[%parallel_loop3A_588] {strides = array<i32>} : memref<5120xf32, #tpu.memory_space<vmem>>, vector<16xf32>,
        %parallel_loop3A_590 = arith.mulf %add3A_52, %parallel_loop3A_582 : vector<16xf32>
        %parallel_loop3A_591 = arith.addf %parallel_loop3A_590, %parallel_loop3A_583 : vector<16xf32>
        %parallel_loop3A_592 = arith.mulf %add3A_124, %parallel_loop3A_589 : vector<16xf32>
        %parallel_loop3A_593 = arith.addf %parallel_loop3A_591, %parallel_loop3A_592 : vector<16xf32>
        %parallel_loop3A_594 = arith.constant 2.000000e-01 : f32
        %parallel_loop3A_595 = vector.broadcast %parallel_loop3A_594 : f32 to vector<16xf32>
        %parallel_loop3A_596 = arith.mulf %parallel_loop3A_595, %parallel_loop3A_593 : vector<16xf32>
        %parallel_loop3A_597 = arith.maximumf %parallel_loop3A_593, %parallel_loop3A_596 : vector<16xf32>
        %parallel_loop3A_598 = arith.subf %parallel_loop3A_597, %add3A_272 : vector<16xf32>
        %parallel_loop3A_599 = math.exp %parallel_loop3A_598 : vector<16xf32>
        tpu.vector_store_idx %arg14[%parallel_loop3A_581], %parallel_loop3A_599 {add = true} : memref<80xf32, #tpu.memory_space<vmem>>[vector<16xi32>], vector<16xf32>,
        %parallel_loop3A_600 = arith.mulf %parallel_loop3A_599, %parallel_loop3A_582 : vector<16xf32>
        tpu.vector_store_idx %arg15[%parallel_loop3A_581], %parallel_loop3A_600 {add = true} : memref<80xf32, #tpu.memory_space<vmem>>[vector<16xi32>], vector<16xf32>,
      } {sc.loop_unroll_factor = 8 : i64, sc.parallel_access}
      %get3A_276 = arith.constant 0 : index
      %get3A_277 = tpu.vector_load %arg15[%get3A_276] {strides = array<i32>} : memref<80xf32, #tpu.memory_space<vmem>>, vector<16xf32>,
      %get3A_278 = arith.constant 0 : index
      %get3A_279 = tpu.vector_load %arg14[%get3A_278] {strides = array<i32>} : memref<80xf32, #tpu.memory_space<vmem>>, vector<16xf32>,
      %add3A_280 = arith.constant 9.99999971E-10 : f32
      %add3A_281 = vector.broadcast %add3A_280 : f32 to vector<16xf32>
      %add3A_282 = arith.addf %get3A_279, %add3A_281 : vector<16xf32>
      %div3A = arith.divf %get3A_277, %add3A_282 : vector<16xf32>
      %add3A_283 = arith.addf %broadcast_in_dim3A_5, %div3A : vector<16xf32>
      %get3A_284 = arith.constant 16 : index
      %get3A_285 = tpu.vector_load %arg15[%get3A_284] {strides = array<i32>} : memref<80xf32, #tpu.memory_space<vmem>>, vector<16xf32>,
      %get3A_286 = arith.constant 16 : index
      %get3A_287 = tpu.vector_load %arg14[%get3A_286] {strides = array<i32>} : memref<80xf32, #tpu.memory_space<vmem>>, vector<16xf32>,
      %add3A_288 = arith.constant 9.99999971E-10 : f32
      %add3A_289 = vector.broadcast %add3A_288 : f32 to vector<16xf32>
      %add3A_290 = arith.addf %get3A_287, %add3A_289 : vector<16xf32>
      %div3A_291 = arith.divf %get3A_285, %add3A_290 : vector<16xf32>
      %add3A_292 = arith.addf %add3A_283, %div3A_291 : vector<16xf32>
      %get3A_293 = arith.constant 32 : index
      %get3A_294 = tpu.vector_load %arg15[%get3A_293] {strides = array<i32>} : memref<80xf32, #tpu.memory_space<vmem>>, vector<16xf32>,
      %get3A_295 = arith.constant 32 : index
      %get3A_296 = tpu.vector_load %arg14[%get3A_295] {strides = array<i32>} : memref<80xf32, #tpu.memory_space<vmem>>, vector<16xf32>,
      %add3A_297 = arith.constant 9.99999971E-10 : f32
      %add3A_298 = vector.broadcast %add3A_297 : f32 to vector<16xf32>
      %add3A_299 = arith.addf %get3A_296, %add3A_298 : vector<16xf32>
      %div3A_300 = arith.divf %get3A_294, %add3A_299 : vector<16xf32>
      %add3A_301 = arith.addf %add3A_292, %div3A_300 : vector<16xf32>
      %get3A_302 = arith.constant 48 : index
      %get3A_303 = tpu.vector_load %arg15[%get3A_302] {strides = array<i32>} : memref<80xf32, #tpu.memory_space<vmem>>, vector<16xf32>,
      %get3A_304 = arith.constant 48 : index
      %get3A_305 = tpu.vector_load %arg14[%get3A_304] {strides = array<i32>} : memref<80xf32, #tpu.memory_space<vmem>>, vector<16xf32>,
      %add3A_306 = arith.constant 9.99999971E-10 : f32
      %add3A_307 = vector.broadcast %add3A_306 : f32 to vector<16xf32>
      %add3A_308 = arith.addf %get3A_305, %add3A_307 : vector<16xf32>
      %div3A_309 = arith.divf %get3A_303, %add3A_308 : vector<16xf32>
      %add3A_310 = arith.addf %add3A_301, %div3A_309 : vector<16xf32>
      %get3A_311 = arith.constant 64 : index
      %get3A_312 = tpu.vector_load %arg15[%get3A_311] {strides = array<i32>} : memref<80xf32, #tpu.memory_space<vmem>>, vector<16xf32>,
      %get3A_313 = arith.constant 64 : index
      %get3A_314 = tpu.vector_load %arg14[%get3A_313] {strides = array<i32>} : memref<80xf32, #tpu.memory_space<vmem>>, vector<16xf32>,
      %add3A_315 = arith.constant 9.99999971E-10 : f32
      %add3A_316 = vector.broadcast %add3A_315 : f32 to vector<16xf32>
      %add3A_317 = arith.addf %get3A_314, %add3A_316 : vector<16xf32>
      %div3A_318 = arith.divf %get3A_312, %add3A_317 : vector<16xf32>
      %add3A_319 = arith.addf %add3A_310, %div3A_318 : vector<16xf32>
      %iota3A_320 = tpu.iota {dimensions = array<i32: 0>} : vector<16xi32>
      %xor3A_321 = arith.constant 8 : i32
      %xor3A_322 = vector.broadcast %xor3A_321 : i32 to vector<16xi32>
      %xor3A_323 = arith.xori %iota3A_320, %xor3A_322 : vector<16xi32>
      %broadcast_in_dim3A_324 = vector.shape_cast %xor3A_323 : vector<16xi32> to vector<16x1xi32>
      %gather3A_325 = vector.shape_cast %broadcast_in_dim3A_324 : vector<16x1xi32> to vector<16xi32>
      %gather3A_326 = tpu.dynamic_gather %add3A_319[%gather3A_325] in [0] : vector<16xf32>, vector<16xi32> -> vector<16xf32>
      %add3A_327 = arith.addf %add3A_319, %gather3A_326 : vector<16xf32>
      %iota3A_328 = tpu.iota {dimensions = array<i32: 0>} : vector<16xi32>
      %xor3A_329 = arith.constant 4 : i32
      %xor3A_330 = vector.broadcast %xor3A_329 : i32 to vector<16xi32>
      %xor3A_331 = arith.xori %iota3A_328, %xor3A_330 : vector<16xi32>
      %broadcast_in_dim3A_332 = vector.shape_cast %xor3A_331 : vector<16xi32> to vector<16x1xi32>
      %gather3A_333 = vector.shape_cast %broadcast_in_dim3A_332 : vector<16x1xi32> to vector<16xi32>
      %gather3A_334 = tpu.dynamic_gather %add3A_327[%gather3A_333] in [0] : vector<16xf32>, vector<16xi32> -> vector<16xf32>
      %add3A_335 = arith.addf %add3A_327, %gather3A_334 : vector<16xf32>
      %iota3A_336 = tpu.iota {dimensions = array<i32: 0>} : vector<16xi32>
      %xor3A_337 = arith.constant 2 : i32
      %xor3A_338 = vector.broadcast %xor3A_337 : i32 to vector<16xi32>
      %xor3A_339 = arith.xori %iota3A_336, %xor3A_338 : vector<16xi32>
      %broadcast_in_dim3A_340 = vector.shape_cast %xor3A_339 : vector<16xi32> to vector<16x1xi32>
      %gather3A_341 = vector.shape_cast %broadcast_in_dim3A_340 : vector<16x1xi32> to vector<16xi32>
      %gather3A_342 = tpu.dynamic_gather %add3A_335[%gather3A_341] in [0] : vector<16xf32>, vector<16xi32> -> vector<16xf32>
      %add3A_343 = arith.addf %add3A_335, %gather3A_342 : vector<16xf32>
      %iota3A_344 = tpu.iota {dimensions = array<i32: 0>} : vector<16xi32>
      %xor3A_345 = arith.constant 1 : i32
      %xor3A_346 = vector.broadcast %xor3A_345 : i32 to vector<16xi32>
      %xor3A_347 = arith.xori %iota3A_344, %xor3A_346 : vector<16xi32>
      %broadcast_in_dim3A_348 = vector.shape_cast %xor3A_347 : vector<16xi32> to vector<16x1xi32>
      %gather3A_349 = vector.shape_cast %broadcast_in_dim3A_348 : vector<16x1xi32> to vector<16xi32>
      %gather3A_350 = tpu.dynamic_gather %add3A_343[%gather3A_349] in [0] : vector<16xf32>, vector<16xi32> -> vector<16xf32>
      %add3A_351 = arith.addf %add3A_343, %gather3A_350 : vector<16xf32>
      %add3A_352 = vector.broadcast %mul3A_144 : i32 to vector<16xi32>
      %add3A_353 = arith.addi %mul3A_8, %add3A_352 : vector<16xi32>
      %mul3A_354 = arith.constant 1.250000e-02 : f32
      %mul3A_355 = vector.broadcast %mul3A_354 : f32 to vector<16xf32>
      %mul3A_356 = arith.mulf %add3A_351, %mul3A_355 : vector<16xf32>
      tpu.vector_store_idx %arg16[%add3A_353], %mul3A_356 : memref<64xf32, #tpu.memory_space<vmem>>[vector<16xi32>], vector<16xf32>,
      %add3A_357 = arith.addi %mul3A_2, %mul3A_144 : i32
      %add3A_358 = arith.constant 1 : i32
      %add3A_359 = arith.addi %add3A_357, %add3A_358 : i32
      %mul3A_360 = arith.constant 2560 : i32
      %mul3A_361 = arith.muli %add3A_359, %mul3A_360 : i32
      %dma_wait3A_362 = arith.constant 2560 : i32
      %dma_wait3A_363 = tpu.memref_slice %arg13[%dma_wait3A_362] : memref<5120xf32, #tpu.memory_space<vmem>> -> memref<2560xf32, #tpu.memory_space<vmem>>
      %dma_wait3A_364 = tpu.memref_slice %arg3[%mul3A_361] : memref<5242880xf32, #tpu.memory_space<hbm>> -> memref<2560xf32, #tpu.memory_space<hbm>>
      %dma_wait3A_365 = arith.constant 2560 : i32
      %dma_wait3A_366 = tpu.memref_slice %arg13[%dma_wait3A_365] : memref<5120xf32, #tpu.memory_space<vmem>> -> memref<2560xf32, #tpu.memory_space<vmem>>
      %dma_wait3A_367 = tpu.memref_slice %arg3[%mul3A_361] : memref<5242880xf32, #tpu.memory_space<hbm>> -> memref<2560xf32, #tpu.memory_space<hbm>>
      tpu.wait_dma2 semaphore(%arg22 : memref<!tpu.dma_semaphore, #tpu.memory_space<semaphore_mem>>) src(%dma_wait3A_367 : memref<2560xf32, #tpu.memory_space<hbm>>) dst(%dma_wait3A_366 : memref<2560xf32, #tpu.memory_space<vmem>>)
      %add3A_368 = arith.constant 1 : i32
      %add3A_369 = arith.addi %scan3A_142, %add3A_368 : i32
      %lt3A_370 = arith.constant 32 : i32
      %lt3A_371 = arith.cmpi slt, %add3A_369, %lt3A_370 : i32
      %convert_element_type3A = arith.extui %lt3A_371 : i1 to i32
      %cond3A = arith.constant 0 : i32
      %cond3A_372 = arith.cmpi ne, %convert_element_type3A, %cond3A : i32
      scf.if %cond3A_372 {
        %add3A_571 = arith.addi %mul3A_2, %mul3A_144 : i32
        %add3A_572 = arith.constant 2 : i32
        %add3A_573 = arith.addi %add3A_571, %add3A_572 : i32
        %mul3A_574 = arith.constant 2560 : i32
        %mul3A_575 = arith.muli %add3A_573, %mul3A_574 : i32
        %dma_start3A_576 = arith.constant 0 : i32
        %dma_start3A_577 = tpu.memref_slice %arg13[%dma_start3A_576] : memref<5120xf32, #tpu.memory_space<vmem>> -> memref<2560xf32, #tpu.memory_space<vmem>>
        %dma_start3A_578 = tpu.memref_slice %arg3[%mul3A_575] : memref<5242880xf32, #tpu.memory_space<hbm>> -> memref<2560xf32, #tpu.memory_space<hbm>>
        %dma_start3A_579 = arith.constant 0 : i32
        %dma_start3A_580 = tpu.memref_slice %arg13[%dma_start3A_579] : memref<5120xf32, #tpu.memory_space<vmem>> -> memref<2560xf32, #tpu.memory_space<vmem>>
        %dma_start3A_581 = tpu.memref_slice %arg3[%mul3A_575] : memref<5242880xf32, #tpu.memory_space<hbm>> -> memref<2560xf32, #tpu.memory_space<hbm>>
        tpu.enqueue_dma source(%dma_start3A_581 : memref<2560xf32, #tpu.memory_space<hbm>>) target(%dma_start3A_580 : memref<2560xf32, #tpu.memory_space<vmem>>) target_semaphore(%arg21 : memref<!tpu.dma_semaphore, #tpu.memory_space<semaphore_mem>>)
      } else {
      }
      %add3A_373 = arith.constant 1 : i32
      %add3A_374 = arith.addi %mul3A_144, %add3A_373 : i32
      %swap3A_375 = arith.constant 0 : index
      %swap3A_376 = tpu.vector_load %arg14[%swap3A_375] {strides = array<i32>} : memref<80xf32, #tpu.memory_space<vmem>>, vector<16xf32>,
      tpu.vector_store %arg14[%swap3A_375], %broadcast_in_dim3A_5 {strides = array<i32>} : memref<80xf32, #tpu.memory_space<vmem>>, vector<16xf32>,
      %swap3A_377 = arith.constant 0 : index
      %swap3A_378 = tpu.vector_load %arg15[%swap3A_377] {strides = array<i32>} : memref<80xf32, #tpu.memory_space<vmem>>, vector<16xf32>,
      tpu.vector_store %arg15[%swap3A_377], %broadcast_in_dim3A_5 {strides = array<i32>} : memref<80xf32, #tpu.memory_space<vmem>>, vector<16xf32>,
      %swap3A_379 = arith.constant 16 : index
      %swap3A_380 = tpu.vector_load %arg14[%swap3A_379] {strides = array<i32>} : memref<80xf32, #tpu.memory_space<vmem>>, vector<16xf32>,
      tpu.vector_store %arg14[%swap3A_379], %broadcast_in_dim3A_5 {strides = array<i32>} : memref<80xf32, #tpu.memory_space<vmem>>, vector<16xf32>,
      %swap3A_381 = arith.constant 16 : index
      %swap3A_382 = tpu.vector_load %arg15[%swap3A_381] {strides = array<i32>} : memref<80xf32, #tpu.memory_space<vmem>>, vector<16xf32>,
      tpu.vector_store %arg15[%swap3A_381], %broadcast_in_dim3A_5 {strides = array<i32>} : memref<80xf32, #tpu.memory_space<vmem>>, vector<16xf32>,
      %swap3A_383 = arith.constant 32 : index
      %swap3A_384 = tpu.vector_load %arg14[%swap3A_383] {strides = array<i32>} : memref<80xf32, #tpu.memory_space<vmem>>, vector<16xf32>,
      tpu.vector_store %arg14[%swap3A_383], %broadcast_in_dim3A_5 {strides = array<i32>} : memref<80xf32, #tpu.memory_space<vmem>>, vector<16xf32>,
      %swap3A_385 = arith.constant 32 : index
      %swap3A_386 = tpu.vector_load %arg15[%swap3A_385] {strides = array<i32>} : memref<80xf32, #tpu.memory_space<vmem>>, vector<16xf32>,
      tpu.vector_store %arg15[%swap3A_385], %broadcast_in_dim3A_5 {strides = array<i32>} : memref<80xf32, #tpu.memory_space<vmem>>, vector<16xf32>,
      %swap3A_387 = arith.constant 48 : index
      %swap3A_388 = tpu.vector_load %arg14[%swap3A_387] {strides = array<i32>} : memref<80xf32, #tpu.memory_space<vmem>>, vector<16xf32>,
      tpu.vector_store %arg14[%swap3A_387], %broadcast_in_dim3A_5 {strides = array<i32>} : memref<80xf32, #tpu.memory_space<vmem>>, vector<16xf32>,
      %swap3A_389 = arith.constant 48 : index
      %swap3A_390 = tpu.vector_load %arg15[%swap3A_389] {strides = array<i32>} : memref<80xf32, #tpu.memory_space<vmem>>, vector<16xf32>,
      tpu.vector_store %arg15[%swap3A_389], %broadcast_in_dim3A_5 {strides = array<i32>} : memref<80xf32, #tpu.memory_space<vmem>>, vector<16xf32>,
      %swap3A_391 = arith.constant 64 : index
      %swap3A_392 = tpu.vector_load %arg14[%swap3A_391] {strides = array<i32>} : memref<80xf32, #tpu.memory_space<vmem>>, vector<16xf32>,
      tpu.vector_store %arg14[%swap3A_391], %broadcast_in_dim3A_5 {strides = array<i32>} : memref<80xf32, #tpu.memory_space<vmem>>, vector<16xf32>,
      %swap3A_393 = arith.constant 64 : index
      %swap3A_394 = tpu.vector_load %arg15[%swap3A_393] {strides = array<i32>} : memref<80xf32, #tpu.memory_space<vmem>>, vector<16xf32>,
      tpu.vector_store %arg15[%swap3A_393], %broadcast_in_dim3A_5 {strides = array<i32>} : memref<80xf32, #tpu.memory_space<vmem>>, vector<16xf32>,
      %mul3A_395 = arith.constant 80 : i32
      %mul3A_396 = arith.muli %add3A_374, %mul3A_395 : i32
      %add3A_397 = arith.constant 0 : i32
      %add3A_398 = arith.addi %mul3A_396, %add3A_397 : i32
      %get3A_399 = arith.index_cast %add3A_398 : i32 to index
      %get3A_400 = tpu.vector_load %arg12[%get3A_399] {strides = array<i32>} : memref<5120xf32, #tpu.memory_space<vmem>>, vector<16xf32>,
      %swap3A_401 = arith.constant 0 : index
      %swap3A_402 = tpu.vector_load %arg18[%swap3A_401] {strides = array<i32>} : memref<80xf32, #tpu.memory_space<vmem>>, vector<16xf32>,
      tpu.vector_store %arg18[%swap3A_401], %get3A_400 {strides = array<i32>} : memref<80xf32, #tpu.memory_space<vmem>>, vector<16xf32>,
      %mul3A_403 = arith.mulf %add3A_88, %get3A_400 : vector<16xf32>
      %swap3A_404 = arith.constant 0 : index
      %swap3A_405 = tpu.vector_load %arg19[%swap3A_404] {strides = array<i32>} : memref<80xf32, #tpu.memory_space<vmem>>, vector<16xf32>,
      tpu.vector_store %arg19[%swap3A_404], %mul3A_403 {strides = array<i32>} : memref<80xf32, #tpu.memory_space<vmem>>, vector<16xf32>,
      %abs3A_406 = math.absf %get3A_400 : vector<16xf32>
      %max3A_407 = arith.maximumf %broadcast_in_dim3A_5, %abs3A_406 : vector<16xf32>
      %add3A_408 = arith.constant 16 : i32
      %add3A_409 = arith.addi %mul3A_396, %add3A_408 : i32
      %get3A_410 = arith.index_cast %add3A_409 : i32 to index
      %get3A_411 = tpu.vector_load %arg12[%get3A_410] {strides = array<i32>} : memref<5120xf32, #tpu.memory_space<vmem>>, vector<16xf32>,
      %swap3A_412 = arith.constant 16 : index
      %swap3A_413 = tpu.vector_load %arg18[%swap3A_412] {strides = array<i32>} : memref<80xf32, #tpu.memory_space<vmem>>, vector<16xf32>,
      tpu.vector_store %arg18[%swap3A_412], %get3A_411 {strides = array<i32>} : memref<80xf32, #tpu.memory_space<vmem>>, vector<16xf32>,
      %mul3A_414 = arith.mulf %add3A_88, %get3A_411 : vector<16xf32>
      %swap3A_415 = arith.constant 16 : index
      %swap3A_416 = tpu.vector_load %arg19[%swap3A_415] {strides = array<i32>} : memref<80xf32, #tpu.memory_space<vmem>>, vector<16xf32>,
      tpu.vector_store %arg19[%swap3A_415], %mul3A_414 {strides = array<i32>} : memref<80xf32, #tpu.memory_space<vmem>>, vector<16xf32>,
      %abs3A_417 = math.absf %get3A_411 : vector<16xf32>
      %max3A_418 = arith.maximumf %max3A_407, %abs3A_417 : vector<16xf32>
      %add3A_419 = arith.constant 32 : i32
      %add3A_420 = arith.addi %mul3A_396, %add3A_419 : i32
      %get3A_421 = arith.index_cast %add3A_420 : i32 to index
      %get3A_422 = tpu.vector_load %arg12[%get3A_421] {strides = array<i32>} : memref<5120xf32, #tpu.memory_space<vmem>>, vector<16xf32>,
      %swap3A_423 = arith.constant 32 : index
      %swap3A_424 = tpu.vector_load %arg18[%swap3A_423] {strides = array<i32>} : memref<80xf32, #tpu.memory_space<vmem>>, vector<16xf32>,
      tpu.vector_store %arg18[%swap3A_423], %get3A_422 {strides = array<i32>} : memref<80xf32, #tpu.memory_space<vmem>>, vector<16xf32>,
      %mul3A_425 = arith.mulf %add3A_88, %get3A_422 : vector<16xf32>
      %swap3A_426 = arith.constant 32 : index
      %swap3A_427 = tpu.vector_load %arg19[%swap3A_426] {strides = array<i32>} : memref<80xf32, #tpu.memory_space<vmem>>, vector<16xf32>,
      tpu.vector_store %arg19[%swap3A_426], %mul3A_425 {strides = array<i32>} : memref<80xf32, #tpu.memory_space<vmem>>, vector<16xf32>,
      %abs3A_428 = math.absf %get3A_422 : vector<16xf32>
      %max3A_429 = arith.maximumf %max3A_418, %abs3A_428 : vector<16xf32>
      %add3A_430 = arith.constant 48 : i32
      %add3A_431 = arith.addi %mul3A_396, %add3A_430 : i32
      %get3A_432 = arith.index_cast %add3A_431 : i32 to index
      %get3A_433 = tpu.vector_load %arg12[%get3A_432] {strides = array<i32>} : memref<5120xf32, #tpu.memory_space<vmem>>, vector<16xf32>,
      %swap3A_434 = arith.constant 48 : index
      %swap3A_435 = tpu.vector_load %arg18[%swap3A_434] {strides = array<i32>} : memref<80xf32, #tpu.memory_space<vmem>>, vector<16xf32>,
      tpu.vector_store %arg18[%swap3A_434], %get3A_433 {strides = array<i32>} : memref<80xf32, #tpu.memory_space<vmem>>, vector<16xf32>,
      %mul3A_436 = arith.mulf %add3A_88, %get3A_433 : vector<16xf32>
      %swap3A_437 = arith.constant 48 : index
      %swap3A_438 = tpu.vector_load %arg19[%swap3A_437] {strides = array<i32>} : memref<80xf32, #tpu.memory_space<vmem>>, vector<16xf32>,
      tpu.vector_store %arg19[%swap3A_437], %mul3A_436 {strides = array<i32>} : memref<80xf32, #tpu.memory_space<vmem>>, vector<16xf32>,
      %abs3A_439 = math.absf %get3A_433 : vector<16xf32>
      %max3A_440 = arith.maximumf %max3A_429, %abs3A_439 : vector<16xf32>
      %add3A_441 = arith.constant 64 : i32
      %add3A_442 = arith.addi %mul3A_396, %add3A_441 : i32
      %get3A_443 = arith.index_cast %add3A_442 : i32 to index
      %get3A_444 = tpu.vector_load %arg12[%get3A_443] {strides = array<i32>} : memref<5120xf32, #tpu.memory_space<vmem>>, vector<16xf32>,
      %swap3A_445 = arith.constant 64 : index
      %swap3A_446 = tpu.vector_load %arg18[%swap3A_445] {strides = array<i32>} : memref<80xf32, #tpu.memory_space<vmem>>, vector<16xf32>,
      tpu.vector_store %arg18[%swap3A_445], %get3A_444 {strides = array<i32>} : memref<80xf32, #tpu.memory_space<vmem>>, vector<16xf32>,
      %mul3A_447 = arith.mulf %add3A_88, %get3A_444 : vector<16xf32>
      %swap3A_448 = arith.constant 64 : index
      %swap3A_449 = tpu.vector_load %arg19[%swap3A_448] {strides = array<i32>} : memref<80xf32, #tpu.memory_space<vmem>>, vector<16xf32>,
      tpu.vector_store %arg19[%swap3A_448], %mul3A_447 {strides = array<i32>} : memref<80xf32, #tpu.memory_space<vmem>>, vector<16xf32>,
      %abs3A_450 = math.absf %get3A_444 : vector<16xf32>
      %max3A_451 = arith.maximumf %max3A_440, %abs3A_450 : vector<16xf32>
      %iota3A_452 = tpu.iota {dimensions = array<i32: 0>} : vector<16xi32>
      %xor3A_453 = arith.constant 8 : i32
      %xor3A_454 = vector.broadcast %xor3A_453 : i32 to vector<16xi32>
      %xor3A_455 = arith.xori %iota3A_452, %xor3A_454 : vector<16xi32>
      %broadcast_in_dim3A_456 = vector.shape_cast %xor3A_455 : vector<16xi32> to vector<16x1xi32>
      %gather3A_457 = vector.shape_cast %broadcast_in_dim3A_456 : vector<16x1xi32> to vector<16xi32>
      %gather3A_458 = tpu.dynamic_gather %max3A_451[%gather3A_457] in [0] : vector<16xf32>, vector<16xi32> -> vector<16xf32>
      %max3A_459 = arith.maximumf %max3A_451, %gather3A_458 : vector<16xf32>
      %iota3A_460 = tpu.iota {dimensions = array<i32: 0>} : vector<16xi32>
      %xor3A_461 = arith.constant 4 : i32
      %xor3A_462 = vector.broadcast %xor3A_461 : i32 to vector<16xi32>
      %xor3A_463 = arith.xori %iota3A_460, %xor3A_462 : vector<16xi32>
      %broadcast_in_dim3A_464 = vector.shape_cast %xor3A_463 : vector<16xi32> to vector<16x1xi32>
      %gather3A_465 = vector.shape_cast %broadcast_in_dim3A_464 : vector<16x1xi32> to vector<16xi32>
      %gather3A_466 = tpu.dynamic_gather %max3A_459[%gather3A_465] in [0] : vector<16xf32>, vector<16xi32> -> vector<16xf32>
      %max3A_467 = arith.maximumf %max3A_459, %gather3A_466 : vector<16xf32>
      %iota3A_468 = tpu.iota {dimensions = array<i32: 0>} : vector<16xi32>
      %xor3A_469 = arith.constant 2 : i32
      %xor3A_470 = vector.broadcast %xor3A_469 : i32 to vector<16xi32>
      %xor3A_471 = arith.xori %iota3A_468, %xor3A_470 : vector<16xi32>
      %broadcast_in_dim3A_472 = vector.shape_cast %xor3A_471 : vector<16xi32> to vector<16x1xi32>
      %gather3A_473 = vector.shape_cast %broadcast_in_dim3A_472 : vector<16x1xi32> to vector<16xi32>
      %gather3A_474 = tpu.dynamic_gather %max3A_467[%gather3A_473] in [0] : vector<16xf32>, vector<16xi32> -> vector<16xf32>
      %max3A_475 = arith.maximumf %max3A_467, %gather3A_474 : vector<16xf32>
      %iota3A_476 = tpu.iota {dimensions = array<i32: 0>} : vector<16xi32>
      %xor3A_477 = arith.constant 1 : i32
      %xor3A_478 = vector.broadcast %xor3A_477 : i32 to vector<16xi32>
      %xor3A_479 = arith.xori %iota3A_476, %xor3A_478 : vector<16xi32>
      %broadcast_in_dim3A_480 = vector.shape_cast %xor3A_479 : vector<16xi32> to vector<16x1xi32>
      %gather3A_481 = vector.shape_cast %broadcast_in_dim3A_480 : vector<16x1xi32> to vector<16xi32>
      %gather3A_482 = tpu.dynamic_gather %max3A_475[%gather3A_481] in [0] : vector<16xf32>, vector<16xi32> -> vector<16xf32>
      %max3A_483 = arith.maximumf %max3A_475, %gather3A_482 : vector<16xf32>
      %mul3A_484 = arith.mulf %add3A_126, %max3A_483 : vector<16xf32>
      %add3A_485 = arith.addf %mul3A_484, %abs3A_127 : vector<16xf32>
      %parallel_loop3A_486 = arith.constant 0 : i32
      %parallel_loop3A_487 = arith.constant 160 : i32
      %parallel_loop3A_488 = arith.constant 1 : i32
      scf.for %parallel_loop3A_571 = %parallel_loop3A_486 to %parallel_loop3A_487 step %parallel_loop3A_488  : i32 {
        %parallel_loop3A_572 = arith.constant 16 : i32
        %parallel_loop3A_573 = arith.muli %parallel_loop3A_571, %parallel_loop3A_572 : i32
        %parallel_loop3A_574 = arith.index_cast %parallel_loop3A_573 : i32 to index
        %parallel_loop3A_575 = tpu.vector_load %arg20[%parallel_loop3A_574] {strides = array<i32>} : memref<2560xi32, #tpu.memory_space<vmem>>, vector<16xi32>,
        %parallel_loop3A_576 = arith.constant 255 : i32
        %parallel_loop3A_577 = vector.broadcast %parallel_loop3A_576 : i32 to vector<16xi32>
        %parallel_loop3A_578 = arith.andi %parallel_loop3A_575, %parallel_loop3A_577 : vector<16xi32>
        %parallel_loop3A_579 = arith.constant 8 : i32
        %parallel_loop3A_580 = vector.broadcast %parallel_loop3A_579 : i32 to vector<16xi32>
        %parallel_loop3A_581 = arith.shrsi %parallel_loop3A_575, %parallel_loop3A_580 : vector<16xi32>
        %parallel_loop3A_582 = tpu.vector_load_idx %arg18[%parallel_loop3A_578] : memref<80xf32, #tpu.memory_space<vmem>>[vector<16xi32>], vector<16xf32>,
        %parallel_loop3A_583 = tpu.vector_load_idx %arg19[%parallel_loop3A_581] : memref<80xf32, #tpu.memory_space<vmem>>[vector<16xi32>], vector<16xf32>,
        %parallel_loop3A_584 = arith.constant 16 : i32
        %parallel_loop3A_585 = arith.muli %parallel_loop3A_571, %parallel_loop3A_584 : i32
        %parallel_loop3A_586 = arith.constant 2560 : i32
        %parallel_loop3A_587 = arith.addi %parallel_loop3A_586, %parallel_loop3A_585 : i32
        %parallel_loop3A_588 = arith.index_cast %parallel_loop3A_587 : i32 to index
        %parallel_loop3A_589 = tpu.vector_load %arg13[%parallel_loop3A_588] {strides = array<i32>} : memref<5120xf32, #tpu.memory_space<vmem>>, vector<16xf32>,
        %parallel_loop3A_590 = arith.mulf %add3A_52, %parallel_loop3A_582 : vector<16xf32>
        %parallel_loop3A_591 = arith.addf %parallel_loop3A_590, %parallel_loop3A_583 : vector<16xf32>
        %parallel_loop3A_592 = arith.mulf %add3A_124, %parallel_loop3A_589 : vector<16xf32>
        %parallel_loop3A_593 = arith.addf %parallel_loop3A_591, %parallel_loop3A_592 : vector<16xf32>
        %parallel_loop3A_594 = arith.constant 2.000000e-01 : f32
        %parallel_loop3A_595 = vector.broadcast %parallel_loop3A_594 : f32 to vector<16xf32>
        %parallel_loop3A_596 = arith.mulf %parallel_loop3A_595, %parallel_loop3A_593 : vector<16xf32>
        %parallel_loop3A_597 = arith.maximumf %parallel_loop3A_593, %parallel_loop3A_596 : vector<16xf32>
        %parallel_loop3A_598 = arith.subf %parallel_loop3A_597, %add3A_485 : vector<16xf32>
        %parallel_loop3A_599 = math.exp %parallel_loop3A_598 : vector<16xf32>
        tpu.vector_store_idx %arg14[%parallel_loop3A_581], %parallel_loop3A_599 {add = true} : memref<80xf32, #tpu.memory_space<vmem>>[vector<16xi32>], vector<16xf32>,
        %parallel_loop3A_600 = arith.mulf %parallel_loop3A_599, %parallel_loop3A_582 : vector<16xf32>
        tpu.vector_store_idx %arg15[%parallel_loop3A_581], %parallel_loop3A_600 {add = true} : memref<80xf32, #tpu.memory_space<vmem>>[vector<16xi32>], vector<16xf32>,
      } {sc.loop_unroll_factor = 8 : i64, sc.parallel_access}
      %get3A_489 = arith.constant 0 : index
      %get3A_490 = tpu.vector_load %arg15[%get3A_489] {strides = array<i32>} : memref<80xf32, #tpu.memory_space<vmem>>, vector<16xf32>,
      %get3A_491 = arith.constant 0 : index
      %get3A_492 = tpu.vector_load %arg14[%get3A_491] {strides = array<i32>} : memref<80xf32, #tpu.memory_space<vmem>>, vector<16xf32>,
      %add3A_493 = arith.constant 9.99999971E-10 : f32
      %add3A_494 = vector.broadcast %add3A_493 : f32 to vector<16xf32>
      %add3A_495 = arith.addf %get3A_492, %add3A_494 : vector<16xf32>
      %div3A_496 = arith.divf %get3A_490, %add3A_495 : vector<16xf32>
      %add3A_497 = arith.addf %broadcast_in_dim3A_5, %div3A_496 : vector<16xf32>
      %get3A_498 = arith.constant 16 : index
      %get3A_499 = tpu.vector_load %arg15[%get3A_498] {strides = array<i32>} : memref<80xf32, #tpu.memory_space<vmem>>, vector<16xf32>,
      %get3A_500 = arith.constant 16 : index
      %get3A_501 = tpu.vector_load %arg14[%get3A_500] {strides = array<i32>} : memref<80xf32, #tpu.memory_space<vmem>>, vector<16xf32>,
      %add3A_502 = arith.constant 9.99999971E-10 : f32
      %add3A_503 = vector.broadcast %add3A_502 : f32 to vector<16xf32>
      %add3A_504 = arith.addf %get3A_501, %add3A_503 : vector<16xf32>
      %div3A_505 = arith.divf %get3A_499, %add3A_504 : vector<16xf32>
      %add3A_506 = arith.addf %add3A_497, %div3A_505 : vector<16xf32>
      %get3A_507 = arith.constant 32 : index
      %get3A_508 = tpu.vector_load %arg15[%get3A_507] {strides = array<i32>} : memref<80xf32, #tpu.memory_space<vmem>>, vector<16xf32>,
      %get3A_509 = arith.constant 32 : index
      %get3A_510 = tpu.vector_load %arg14[%get3A_509] {strides = array<i32>} : memref<80xf32, #tpu.memory_space<vmem>>, vector<16xf32>,
      %add3A_511 = arith.constant 9.99999971E-10 : f32
      %add3A_512 = vector.broadcast %add3A_511 : f32 to vector<16xf32>
      %add3A_513 = arith.addf %get3A_510, %add3A_512 : vector<16xf32>
      %div3A_514 = arith.divf %get3A_508, %add3A_513 : vector<16xf32>
      %add3A_515 = arith.addf %add3A_506, %div3A_514 : vector<16xf32>
      %get3A_516 = arith.constant 48 : index
      %get3A_517 = tpu.vector_load %arg15[%get3A_516] {strides = array<i32>} : memref<80xf32, #tpu.memory_space<vmem>>, vector<16xf32>,
      %get3A_518 = arith.constant 48 : index
      %get3A_519 = tpu.vector_load %arg14[%get3A_518] {strides = array<i32>} : memref<80xf32, #tpu.memory_space<vmem>>, vector<16xf32>,
      %add3A_520 = arith.constant 9.99999971E-10 : f32
      %add3A_521 = vector.broadcast %add3A_520 : f32 to vector<16xf32>
      %add3A_522 = arith.addf %get3A_519, %add3A_521 : vector<16xf32>
      %div3A_523 = arith.divf %get3A_517, %add3A_522 : vector<16xf32>
      %add3A_524 = arith.addf %add3A_515, %div3A_523 : vector<16xf32>
      %get3A_525 = arith.constant 64 : index
      %get3A_526 = tpu.vector_load %arg15[%get3A_525] {strides = array<i32>} : memref<80xf32, #tpu.memory_space<vmem>>, vector<16xf32>,
      %get3A_527 = arith.constant 64 : index
      %get3A_528 = tpu.vector_load %arg14[%get3A_527] {strides = array<i32>} : memref<80xf32, #tpu.memory_space<vmem>>, vector<16xf32>,
      %add3A_529 = arith.constant 9.99999971E-10 : f32
      %add3A_530 = vector.broadcast %add3A_529 : f32 to vector<16xf32>
      %add3A_531 = arith.addf %get3A_528, %add3A_530 : vector<16xf32>
      %div3A_532 = arith.divf %get3A_526, %add3A_531 : vector<16xf32>
      %add3A_533 = arith.addf %add3A_524, %div3A_532 : vector<16xf32>
      %iota3A_534 = tpu.iota {dimensions = array<i32: 0>} : vector<16xi32>
      %xor3A_535 = arith.constant 8 : i32
      %xor3A_536 = vector.broadcast %xor3A_535 : i32 to vector<16xi32>
      %xor3A_537 = arith.xori %iota3A_534, %xor3A_536 : vector<16xi32>
      %broadcast_in_dim3A_538 = vector.shape_cast %xor3A_537 : vector<16xi32> to vector<16x1xi32>
      %gather3A_539 = vector.shape_cast %broadcast_in_dim3A_538 : vector<16x1xi32> to vector<16xi32>
      %gather3A_540 = tpu.dynamic_gather %add3A_533[%gather3A_539] in [0] : vector<16xf32>, vector<16xi32> -> vector<16xf32>
      %add3A_541 = arith.addf %add3A_533, %gather3A_540 : vector<16xf32>
      %iota3A_542 = tpu.iota {dimensions = array<i32: 0>} : vector<16xi32>
      %xor3A_543 = arith.constant 4 : i32
      %xor3A_544 = vector.broadcast %xor3A_543 : i32 to vector<16xi32>
      %xor3A_545 = arith.xori %iota3A_542, %xor3A_544 : vector<16xi32>
      %broadcast_in_dim3A_546 = vector.shape_cast %xor3A_545 : vector<16xi32> to vector<16x1xi32>
      %gather3A_547 = vector.shape_cast %broadcast_in_dim3A_546 : vector<16x1xi32> to vector<16xi32>
      %gather3A_548 = tpu.dynamic_gather %add3A_541[%gather3A_547] in [0] : vector<16xf32>, vector<16xi32> -> vector<16xf32>
      %add3A_549 = arith.addf %add3A_541, %gather3A_548 : vector<16xf32>
      %iota3A_550 = tpu.iota {dimensions = array<i32: 0>} : vector<16xi32>
      %xor3A_551 = arith.constant 2 : i32
      %xor3A_552 = vector.broadcast %xor3A_551 : i32 to vector<16xi32>
      %xor3A_553 = arith.xori %iota3A_550, %xor3A_552 : vector<16xi32>
      %broadcast_in_dim3A_554 = vector.shape_cast %xor3A_553 : vector<16xi32> to vector<16x1xi32>
      %gather3A_555 = vector.shape_cast %broadcast_in_dim3A_554 : vector<16x1xi32> to vector<16xi32>
      %gather3A_556 = tpu.dynamic_gather %add3A_549[%gather3A_555] in [0] : vector<16xf32>, vector<16xi32> -> vector<16xf32>
      %add3A_557 = arith.addf %add3A_549, %gather3A_556 : vector<16xf32>
      %iota3A_558 = tpu.iota {dimensions = array<i32: 0>} : vector<16xi32>
      %xor3A_559 = arith.constant 1 : i32
      %xor3A_560 = vector.broadcast %xor3A_559 : i32 to vector<16xi32>
      %xor3A_561 = arith.xori %iota3A_558, %xor3A_560 : vector<16xi32>
      %broadcast_in_dim3A_562 = vector.shape_cast %xor3A_561 : vector<16xi32> to vector<16x1xi32>
      %gather3A_563 = vector.shape_cast %broadcast_in_dim3A_562 : vector<16x1xi32> to vector<16xi32>
      %gather3A_564 = tpu.dynamic_gather %add3A_557[%gather3A_563] in [0] : vector<16xf32>, vector<16xi32> -> vector<16xf32>
      %add3A_565 = arith.addf %add3A_557, %gather3A_564 : vector<16xf32>
      %add3A_566 = vector.broadcast %add3A_374 : i32 to vector<16xi32>
      %add3A_567 = arith.addi %mul3A_8, %add3A_566 : vector<16xi32>
      %mul3A_568 = arith.constant 1.250000e-02 : f32
      %mul3A_569 = vector.broadcast %mul3A_568 : f32 to vector<16xf32>
      %mul3A_570 = arith.mulf %add3A_565, %mul3A_569 : vector<16xf32>
      tpu.vector_store_idx %arg16[%add3A_567], %mul3A_570 : memref<64xf32, #tpu.memory_space<vmem>>[vector<16xi32>], vector<16xf32>,
    }
    %scan3A_141 = arith.constant 32 : i32
    "tpu.region"() ({
      %run_scoped3A = tpu.sem_alloc : memref<!tpu.dma_semaphore, #tpu.memory_space<semaphore_mem>>
      %dma_start3A_142 = tpu.memref_slice %arg10[%mul3A_2] : memref<2048xf32, #tpu.memory_space<hbm>> -> memref<64xf32, #tpu.memory_space<hbm>>
      %dma_start3A_143 = tpu.memref_slice %arg10[%mul3A_2] : memref<2048xf32, #tpu.memory_space<hbm>> -> memref<64xf32, #tpu.memory_space<hbm>>
      tpu.enqueue_dma source(%arg16 : memref<64xf32, #tpu.memory_space<vmem>>) target(%dma_start3A_143 : memref<64xf32, #tpu.memory_space<hbm>>) target_semaphore(%run_scoped3A : memref<!tpu.dma_semaphore, #tpu.memory_space<semaphore_mem>>)
      %dma_wait3A = tpu.memref_slice %arg10[%mul3A_2] : memref<2048xf32, #tpu.memory_space<hbm>> -> memref<64xf32, #tpu.memory_space<hbm>>
      %dma_wait3A_144 = tpu.memref_slice %arg10[%mul3A_2] : memref<2048xf32, #tpu.memory_space<hbm>> -> memref<64xf32, #tpu.memory_space<hbm>>
      tpu.wait_dma2 semaphore(%run_scoped3A : memref<!tpu.dma_semaphore, #tpu.memory_space<semaphore_mem>>) src(%arg16 : memref<64xf32, #tpu.memory_space<vmem>>) dst(%dma_wait3A_144 : memref<64xf32, #tpu.memory_space<hbm>>)
      tpu.yield
    }) : () -> ()
    return
  }
}

module attributes {stable_mosaic.version = 14 : i64} {
  func.func @body(%arg0: memref<64x32x1xf32, #tpu.memory_space<vmem>>, %arg1: memref<1x8xf32, #tpu.memory_space<vmem>>, %arg2: memref<96x8xf32, #tpu.memory_space<vmem>>, %arg3: memref<96x24xf32, #tpu.memory_space<vmem>>, %arg4: memref<1x8xf32, #tpu.memory_space<vmem>>, %arg5: memref<1x96xf32, #tpu.memory_space<vmem>>, %arg6: memref<1x96xf32, #tpu.memory_space<vmem>>, %arg7: memref<160x24xf32, #tpu.memory_space<vmem>>, %arg8: memref<1x160xf32, #tpu.memory_space<vmem>>, %arg9: memref<20x160xf32, #tpu.memory_space<vmem>>, %arg10: memref<1x20xf32, #tpu.memory_space<vmem>>, %arg11: memref<32x64x20xf32, #tpu.memory_space<vmem>>) attributes {dimension_semantics = [], scalar_prefetch = 0 : i64, scratch_operands = 0 : i64, tpu.core_type = #tpu.core_type<tc>} {
    %get3A = arith.constant 0 : index
    %get3A_0 = arith.constant 0 : index
    %get3A_1 = vector.load %arg1[%get3A, %get3A_0] : memref<1x8xf32, #tpu.memory_space<vmem>>, vector<1x8xf32>
    %get3A_2 = arith.constant 0 : index
    %get3A_3 = arith.constant 0 : index
    %get3A_4 = vector.load %arg2[%get3A_2, %get3A_3] : memref<96x8xf32, #tpu.memory_space<vmem>>, vector<96x8xf32>
    %get3A_5 = arith.constant 0 : index
    %get3A_6 = arith.constant 0 : index
    %get3A_7 = vector.load %arg3[%get3A_5, %get3A_6] : memref<96x24xf32, #tpu.memory_space<vmem>>, vector<96x24xf32>
    %get3A_8 = arith.constant 0 : index
    %get3A_9 = arith.constant 0 : index
    %get3A_10 = vector.load %arg4[%get3A_8, %get3A_9] : memref<1x8xf32, #tpu.memory_space<vmem>>, vector<1x8xf32>
    %dot_general3A = arith.constant dense<0.000000e+00> : vector<1x96xf32>
    %dot_general3A_11 = tpu.matmul %get3A_10, %get3A_4, %dot_general3A {dimension_numbers = #tpu.dot_dimension_numbers<[1], [1], [0], [0], [0, 0, 1, 0], [], []>, transpose_lhs_hint = false} : vector<1x8xf32>, vector<96x8xf32>, vector<1x96xf32> -> vector<1x96xf32>
    %get3A_12 = arith.constant 0 : index
    %get3A_13 = arith.constant 0 : index
    %get3A_14 = vector.load %arg5[%get3A_12, %get3A_13] : memref<1x96xf32, #tpu.memory_space<vmem>>, vector<1x96xf32>
    %add3A = arith.addf %dot_general3A_11, %get3A_14 : vector<1x96xf32>
    %get3A_15 = arith.constant 0 : index
    %get3A_16 = arith.constant 0 : index
    %get3A_17 = vector.load %arg6[%get3A_15, %get3A_16] : memref<1x96xf32, #tpu.memory_space<vmem>>, vector<1x96xf32>
    %add3A_18 = arith.addf %add3A, %get3A_17 : vector<1x96xf32>
    %dot_general3A_19 = arith.constant dense<0.000000e+00> : vector<1x96xf32>
    %dot_general3A_20 = tpu.matmul %get3A_1, %get3A_4, %dot_general3A_19 {dimension_numbers = #tpu.dot_dimension_numbers<[1], [1], [0], [0], [0, 0, 1, 0], [], []>, transpose_lhs_hint = false} : vector<1x8xf32>, vector<96x8xf32>, vector<1x96xf32> -> vector<1x96xf32>
    %slice3A = vector.extract_strided_slice %dot_general3A_20 {offsets = [0, 0], sizes = [1, 24], strides = [1, 1]} : vector<1x96xf32> to vector<1x24xf32>
    %slice3A_21 = vector.extract_strided_slice %dot_general3A_20 {offsets = [0, 24], sizes = [1, 24], strides = [1, 1]} : vector<1x96xf32> to vector<1x24xf32>
    %slice3A_22 = vector.extract_strided_slice %dot_general3A_20 {offsets = [0, 48], sizes = [1, 24], strides = [1, 1]} : vector<1x96xf32> to vector<1x24xf32>
    %slice3A_23 = vector.extract_strided_slice %dot_general3A_20 {offsets = [0, 72], sizes = [1, 24], strides = [1, 1]} : vector<1x96xf32> to vector<1x24xf32>
    %slice3A_24 = vector.extract_strided_slice %add3A_18 {offsets = [0, 0], sizes = [1, 24], strides = [1, 1]} : vector<1x96xf32> to vector<1x24xf32>
    %slice3A_25 = vector.extract_strided_slice %add3A_18 {offsets = [0, 24], sizes = [1, 24], strides = [1, 1]} : vector<1x96xf32> to vector<1x24xf32>
    %slice3A_26 = vector.extract_strided_slice %add3A_18 {offsets = [0, 48], sizes = [1, 24], strides = [1, 1]} : vector<1x96xf32> to vector<1x24xf32>
    %slice3A_27 = vector.extract_strided_slice %add3A_18 {offsets = [0, 72], sizes = [1, 24], strides = [1, 1]} : vector<1x96xf32> to vector<1x24xf32>
    %transpose3A = tpu.transpose %get3A_7, [1, 0] : vector<96x24xf32> -> vector<24x96xf32>
    %slice3A_28 = vector.extract_strided_slice %transpose3A {offsets = [0, 0], sizes = [24, 24], strides = [1, 1]} : vector<24x96xf32> to vector<24x24xf32>
    %slice3A_29 = vector.extract_strided_slice %transpose3A {offsets = [0, 24], sizes = [24, 24], strides = [1, 1]} : vector<24x96xf32> to vector<24x24xf32>
    %slice3A_30 = vector.extract_strided_slice %transpose3A {offsets = [0, 48], sizes = [24, 24], strides = [1, 1]} : vector<24x96xf32> to vector<24x24xf32>
    %slice3A_31 = vector.extract_strided_slice %transpose3A {offsets = [0, 72], sizes = [24, 24], strides = [1, 1]} : vector<24x96xf32> to vector<24x24xf32>
    %get3A_32 = arith.constant 0 : index
    %get3A_33 = arith.constant 0 : index
    %get3A_34 = vector.load %arg7[%get3A_32, %get3A_33] : memref<160x24xf32, #tpu.memory_space<vmem>>, vector<160x24xf32>
    %get3A_35 = arith.constant 0 : index
    %get3A_36 = arith.constant 0 : index
    %get3A_37 = vector.load %arg9[%get3A_35, %get3A_36] : memref<20x160xf32, #tpu.memory_space<vmem>>, vector<20x160xf32>
    %dot_general3A_38 = arith.constant dense<0.000000e+00> : vector<24x20xf32>
    %dot_general3A_39 = tpu.matmul %get3A_34, %get3A_37, %dot_general3A_38 {dimension_numbers = #tpu.dot_dimension_numbers<[0], [1], [1], [0], [0, 1, 1, 0], [], []>, transpose_lhs_hint = false} : vector<160x24xf32>, vector<20x160xf32>, vector<24x20xf32> -> vector<24x20xf32>
    %get3A_40 = arith.constant 0 : index
    %get3A_41 = arith.constant 0 : index
    %get3A_42 = vector.load %arg8[%get3A_40, %get3A_41] : memref<1x160xf32, #tpu.memory_space<vmem>>, vector<1x160xf32>
    %get3A_43 = arith.constant 0 : index
    %get3A_44 = arith.constant 0 : index
    %get3A_45 = vector.load %arg9[%get3A_43, %get3A_44] : memref<20x160xf32, #tpu.memory_space<vmem>>, vector<20x160xf32>
    %dot_general3A_46 = arith.constant dense<0.000000e+00> : vector<1x20xf32>
    %dot_general3A_47 = tpu.matmul %get3A_42, %get3A_45, %dot_general3A_46 {dimension_numbers = #tpu.dot_dimension_numbers<[1], [1], [0], [0], [0, 0, 1, 0], [], []>, transpose_lhs_hint = false} : vector<1x160xf32>, vector<20x160xf32>, vector<1x20xf32> -> vector<1x20xf32>
    %get3A_48 = arith.constant 0 : index
    %get3A_49 = arith.constant 0 : index
    %get3A_50 = vector.load %arg10[%get3A_48, %get3A_49] : memref<1x20xf32, #tpu.memory_space<vmem>>, vector<1x20xf32>
    %add3A_51 = arith.addf %dot_general3A_47, %get3A_50 : vector<1x20xf32>
    %broadcast_in_dim3A = arith.constant 0.000000e+00 : f32
    %broadcast_in_dim3A_52 = vector.broadcast %broadcast_in_dim3A : f32 to vector<32x24xf32>
    %broadcast_in_dim3A_53 = arith.constant 0.000000e+00 : f32
    %broadcast_in_dim3A_54 = vector.broadcast %broadcast_in_dim3A_53 : f32 to vector<32x24xf32>
    %scan3A = arith.constant 0 : i32
    %scan3A_55 = arith.constant 64 : i32
    %scan3A_56 = arith.addi %scan3A, %scan3A_55 : i32
    %scan3A_57 = arith.constant 1 : i32
    %scan3A_58:2 = scf.for %scan3A_69 = %scan3A to %scan3A_56 step %scan3A_57 iter_args(%scan3A_70 = %broadcast_in_dim3A_52, %scan3A_71 = %broadcast_in_dim3A_54) -> (vector<32x24xf32>, vector<32x24xf32>)  : i32 {
      %dot_general3A_72 = arith.constant dense<0.000000e+00> : vector<32x20xf32>
      %dot_general3A_73 = tpu.matmul %scan3A_70, %dot_general3A_39, %dot_general3A_72 {dimension_numbers = #tpu.dot_dimension_numbers<[1], [0], [0], [1], [0, 0, 1, 1], [], []>, transpose_lhs_hint = false} : vector<32x24xf32>, vector<24x20xf32>, vector<32x20xf32> -> vector<32x20xf32>
      %add3A_74 = vector.broadcast %add3A_51 : vector<1x20xf32> to vector<32x20xf32>
      %add3A_75 = arith.addf %dot_general3A_73, %add3A_74 : vector<32x20xf32>
      %gt3A = arith.constant 0 : i32
      %gt3A_76 = arith.cmpi sgt, %scan3A_69, %gt3A : i32
      %convert_element_type3A = arith.extui %gt3A_76 : i1 to i32
      %cond3A = arith.constant 0 : i32
      %cond3A_77 = arith.cmpi ne, %convert_element_type3A, %cond3A : i32
      scf.if %cond3A_77 {
        %sub3A = arith.constant 1 : i32
        %sub3A_136 = arith.subi %scan3A_69, %sub3A : i32
        %swap3A_137 = arith.constant 0 : index
        %swap3A_138 = arith.index_cast %sub3A_136 : i32 to index
        %swap3A_139 = arith.constant 0 : index
        %swap3A_140 = vector.load %arg11[%swap3A_137, %swap3A_138, %swap3A_139] : memref<32x64x20xf32, #tpu.memory_space<vmem>>, vector<32x1x20xf32>
        %swap3A_141 = vector.shape_cast %swap3A_140 : vector<32x1x20xf32> to vector<32x20xf32>
        %swap3A_142 = vector.shape_cast %add3A_75 : vector<32x20xf32> to vector<32x1x20xf32>
        tpu.vector_store %arg11[%swap3A_137, %swap3A_138, %swap3A_139], %swap3A_142 {strides = array<i32>} : memref<32x64x20xf32, #tpu.memory_space<vmem>>, vector<32x1x20xf32>,
      } else {
      }
      %get3A_78 = arith.index_cast %scan3A_69 : i32 to index
      %get3A_79 = arith.constant 0 : index
      %get3A_80 = arith.constant 0 : index
      %get3A_81 = vector.load %arg0[%get3A_78, %get3A_79, %get3A_80] : memref<64x32x1xf32, #tpu.memory_space<vmem>>, vector<1x32x1xf32>
      %get3A_82 = vector.shape_cast %get3A_81 : vector<1x32x1xf32> to vector<32x1xf32>
      %mul3A = vector.broadcast %get3A_82 : vector<32x1xf32> to vector<32x24xf32>
      %mul3A_83 = vector.broadcast %slice3A : vector<1x24xf32> to vector<32x24xf32>
      %mul3A_84 = arith.mulf %mul3A, %mul3A_83 : vector<32x24xf32>
      %add3A_85 = vector.broadcast %slice3A_24 : vector<1x24xf32> to vector<32x24xf32>
      %add3A_86 = arith.addf %mul3A_84, %add3A_85 : vector<32x24xf32>
      %dot_general3A_87 = arith.constant dense<0.000000e+00> : vector<32x24xf32>
      %dot_general3A_88 = tpu.matmul %scan3A_70, %slice3A_28, %dot_general3A_87 {dimension_numbers = #tpu.dot_dimension_numbers<[1], [0], [0], [1], [0, 0, 1, 1], [], []>, transpose_lhs_hint = false} : vector<32x24xf32>, vector<24x24xf32>, vector<32x24xf32> -> vector<32x24xf32>
      %add3A_89 = arith.addf %add3A_86, %dot_general3A_88 : vector<32x24xf32>
      %logistic3A = arith.negf %add3A_89 : vector<32x24xf32>
      %logistic3A_90 = math.exp %logistic3A : vector<32x24xf32>
      %logistic3A_91 = arith.constant 1.000000e+00 : f32
      %logistic3A_92 = vector.broadcast %logistic3A_91 : f32 to vector<32x24xf32>
      %logistic3A_93 = arith.addf %logistic3A_92, %logistic3A_90 : vector<32x24xf32>
      %logistic3A_94 = arith.divf %logistic3A_92, %logistic3A_93 : vector<32x24xf32>
      %mul3A_95 = vector.broadcast %get3A_82 : vector<32x1xf32> to vector<32x24xf32>
      %mul3A_96 = vector.broadcast %slice3A_21 : vector<1x24xf32> to vector<32x24xf32>
      %mul3A_97 = arith.mulf %mul3A_95, %mul3A_96 : vector<32x24xf32>
      %add3A_98 = vector.broadcast %slice3A_25 : vector<1x24xf32> to vector<32x24xf32>
      %add3A_99 = arith.addf %mul3A_97, %add3A_98 : vector<32x24xf32>
      %dot_general3A_100 = arith.constant dense<0.000000e+00> : vector<32x24xf32>
      %dot_general3A_101 = tpu.matmul %scan3A_70, %slice3A_29, %dot_general3A_100 {dimension_numbers = #tpu.dot_dimension_numbers<[1], [0], [0], [1], [0, 0, 1, 1], [], []>, transpose_lhs_hint = false} : vector<32x24xf32>, vector<24x24xf32>, vector<32x24xf32> -> vector<32x24xf32>
      %add3A_102 = arith.addf %add3A_99, %dot_general3A_101 : vector<32x24xf32>
      %logistic3A_103 = arith.negf %add3A_102 : vector<32x24xf32>
      %logistic3A_104 = math.exp %logistic3A_103 : vector<32x24xf32>
      %logistic3A_105 = arith.constant 1.000000e+00 : f32
      %logistic3A_106 = vector.broadcast %logistic3A_105 : f32 to vector<32x24xf32>
      %logistic3A_107 = arith.addf %logistic3A_106, %logistic3A_104 : vector<32x24xf32>
      %logistic3A_108 = arith.divf %logistic3A_106, %logistic3A_107 : vector<32x24xf32>
      %mul3A_109 = vector.broadcast %get3A_82 : vector<32x1xf32> to vector<32x24xf32>
      %mul3A_110 = vector.broadcast %slice3A_22 : vector<1x24xf32> to vector<32x24xf32>
      %mul3A_111 = arith.mulf %mul3A_109, %mul3A_110 : vector<32x24xf32>
      %add3A_112 = vector.broadcast %slice3A_26 : vector<1x24xf32> to vector<32x24xf32>
      %add3A_113 = arith.addf %mul3A_111, %add3A_112 : vector<32x24xf32>
      %dot_general3A_114 = arith.constant dense<0.000000e+00> : vector<32x24xf32>
      %dot_general3A_115 = tpu.matmul %scan3A_70, %slice3A_30, %dot_general3A_114 {dimension_numbers = #tpu.dot_dimension_numbers<[1], [0], [0], [1], [0, 0, 1, 1], [], []>, transpose_lhs_hint = false} : vector<32x24xf32>, vector<24x24xf32>, vector<32x24xf32> -> vector<32x24xf32>
      %add3A_116 = arith.addf %add3A_113, %dot_general3A_115 : vector<32x24xf32>
      %tanh3A = math.tanh %add3A_116 : vector<32x24xf32>
      %mul3A_117 = vector.broadcast %get3A_82 : vector<32x1xf32> to vector<32x24xf32>
      %mul3A_118 = vector.broadcast %slice3A_23 : vector<1x24xf32> to vector<32x24xf32>
      %mul3A_119 = arith.mulf %mul3A_117, %mul3A_118 : vector<32x24xf32>
      %add3A_120 = vector.broadcast %slice3A_27 : vector<1x24xf32> to vector<32x24xf32>
      %add3A_121 = arith.addf %mul3A_119, %add3A_120 : vector<32x24xf32>
      %dot_general3A_122 = arith.constant dense<0.000000e+00> : vector<32x24xf32>
      %dot_general3A_123 = tpu.matmul %scan3A_70, %slice3A_31, %dot_general3A_122 {dimension_numbers = #tpu.dot_dimension_numbers<[1], [0], [0], [1], [0, 0, 1, 1], [], []>, transpose_lhs_hint = false} : vector<32x24xf32>, vector<24x24xf32>, vector<32x24xf32> -> vector<32x24xf32>
      %add3A_124 = arith.addf %add3A_121, %dot_general3A_123 : vector<32x24xf32>
      %logistic3A_125 = arith.negf %add3A_124 : vector<32x24xf32>
      %logistic3A_126 = math.exp %logistic3A_125 : vector<32x24xf32>
      %logistic3A_127 = arith.constant 1.000000e+00 : f32
      %logistic3A_128 = vector.broadcast %logistic3A_127 : f32 to vector<32x24xf32>
      %logistic3A_129 = arith.addf %logistic3A_128, %logistic3A_126 : vector<32x24xf32>
      %logistic3A_130 = arith.divf %logistic3A_128, %logistic3A_129 : vector<32x24xf32>
      %mul3A_131 = arith.mulf %logistic3A_108, %scan3A_71 : vector<32x24xf32>
      %mul3A_132 = arith.mulf %logistic3A_94, %tanh3A : vector<32x24xf32>
      %add3A_133 = arith.addf %mul3A_131, %mul3A_132 : vector<32x24xf32>
      %tanh3A_134 = math.tanh %add3A_133 : vector<32x24xf32>
      %mul3A_135 = arith.mulf %logistic3A_130, %tanh3A_134 : vector<32x24xf32>
      scf.yield %mul3A_135, %add3A_133 : vector<32x24xf32>, vector<32x24xf32>
    }
    %scan3A_59 = arith.constant 64 : i32
    %dot_general3A_60 = arith.constant dense<0.000000e+00> : vector<32x20xf32>
    %dot_general3A_61 = tpu.matmul %scan3A_58#0, %dot_general3A_39, %dot_general3A_60 {dimension_numbers = #tpu.dot_dimension_numbers<[1], [0], [0], [1], [0, 0, 1, 1], [], []>, transpose_lhs_hint = false} : vector<32x24xf32>, vector<24x20xf32>, vector<32x20xf32> -> vector<32x20xf32>
    %add3A_62 = vector.broadcast %add3A_51 : vector<1x20xf32> to vector<32x20xf32>
    %add3A_63 = arith.addf %dot_general3A_61, %add3A_62 : vector<32x20xf32>
    %swap3A = arith.constant 0 : index
    %swap3A_64 = arith.constant 63 : index
    %swap3A_65 = arith.constant 0 : index
    %swap3A_66 = vector.load %arg11[%swap3A, %swap3A_64, %swap3A_65] : memref<32x64x20xf32, #tpu.memory_space<vmem>>, vector<32x1x20xf32>
    %swap3A_67 = vector.shape_cast %swap3A_66 : vector<32x1x20xf32> to vector<32x20xf32>
    %swap3A_68 = vector.shape_cast %add3A_63 : vector<32x20xf32> to vector<32x1x20xf32>
    tpu.vector_store %arg11[%swap3A, %swap3A_64, %swap3A_65], %swap3A_68 {strides = array<i32>} : memref<32x64x20xf32, #tpu.memory_space<vmem>>, vector<32x1x20xf32>,
    return
  }
}

</mosaic_0001>

<sc_bundles>
// kernel: kernel.4.cloned.1.call-start
scs
__scs_entry_jumppad:
0x0: {  	(pc) =	sbr.rel $0x88, $3  }
0x1: {  	(tag) =	ssettag $0x0;
	lr =	simm.s32 $0x1  }
0x2: {  	[smem:$0x3F90] =	sst lr;
	_ =	strace $0xD0000000  }
0x3: {  	_ = 	snop  }
0x4: {  	_ = 	snop  }
0x5: {  	_ = 	snop  }
0x6: {  	_ = 	snop  }
0x7: {  	_ = 	snop  }
__scs_overlays_trampoline_lowered:
0x8: {  	[smem:$0x3F9F] =	sst s0  }
0x9: {  	[smem:$0x3FA0] =	sst s1  }
0xa: {  	[smem:$0x3FA1] =	sst s2  }
0xb: {  	[smem:$0x3FA2] =	sst s3  }
0xc: {  	[smem:$0x3FA3] =	sst s4  }
0xd: {  	[smem:$0x3FA4] =	sst s5  }
0xe: {  	[smem:$0x3FA5] =	sst s6  }
0xf: {  	[smem:$0x3FA6] =	sst s7  }
0x10: {  	[smem:$0x3FA7] =	sst s8  }
0x11: {  	[smem:$0x3FA8] =	sst s9;
	s0 =	simm.s32 @!p0 $0x0  }
0x12: {  	s1 =	sld [smem:$0x3F8E];
	s0 =	simm.s32 @p0 $0x1  }
0x13: {  	[smem:$0x3FA9] =	sst s0;
	s0 =	simm.s32 @!p1 $0x0  }
0x14: {  	s2 =	sld [smem:$0x3F8D];
	s0 =	simm.s32 @p1 $0x1  }
0x15: {  	[smem:$0x3FAA] =	sst s0;
	s0 =	simm.s32 @!p2 $0x0  }
0x16: {  	s3 =	sld [smem:$0x3FDB];
	s0 =	simm.s32 @p2 $0x1  }
0x17: {  	s4 =	simm.s32 $0x1BF5;
	[smem:$0x3FAC] =	sst s0  }
0x18: {  	s0 =	sld [smem:$0x3F8F];
	_ =	swait.ge [sflag:s4], $0x0  }
0x19: {  	s7 =	sld [smem:$0x3F90]  }
0x1a: {  	s8 =	sadd.s32 $0xFFFFE003, lr  }
0x1b: {  	s9 =	sadd.s32 $0xFFFFFEF7, lr;
	s5 =	simm.s32 $0xFFFFFFFF;
	p2 =	slt.u32 s8, $0xFFFFF086  }
0x1c: {  	p1 =	slt.u32 s9, $0xF7A;
	s5 =	simm.s32 @!p2 $0x0  }
0x1d: {  	s5 =	simm.s32 @p1 $0x1;
	p0 =	seq.s32 s7, s2  }
0x1e: {  	s7 =	smul.u32 @!p0 $0xF7A, s2;
	p2 =	seq.s32 @!p0 s5, $0x0  }
0x1f: {  	s9 =	smul.u32 $0xF7A, s1;
	s8 =	simm.s32 @!p0 $0x1BF5;
	p2 =	por !p2, p0  }
0x20: {  	[sflag:s8] =	ssyncset.s32 @!p0 $0xFFFFF086;
	s6 =	sadd.s32 @!p0 s3, s7;
	s7 =	simm.s32 @!p0 $0x108  }
0x21: {  	s3 =	sadd.s32 s3, s9;
	s6 =	sadd.s32 @!p0 $0x88, s6;
	s7 =	simm.s32 @p2 $0x1082  }
0x22: {  	[simem:s7], [sflag:s8] =	dma.local @!p0 [hbm:s6], $0xF7A  }
0x23: {  	s9 =	sor.u32 $0xD0000000, s2;
	s6 =	simm.s32 $0x108;
	_ =	swait.ge @!p0 [sflag:s8], $0x0  }
0x24: {  	s3 =	sadd.s32 $0x88, s3;
	s6 =	simm.s32 @!p1 $0x1082;
	[sflag:s4] =	ssyncset.s32 $0xFFFFF086  }
0x25: {  	[simem:s6], [sflag:s4] =	dma.local [hbm:s3], $0xF7A  }
0x26: {  	[smem:$0x3F90] =	sst s1;
	(tag) =	ssettag s2;
	_ =	strace s9  }
0x27: {  	s1 =	sld [smem:$0x3FA0]  }
0x28: {  	s2 =	sld [smem:$0x3FA1]  }
0x29: {  	s4 =	sld [smem:$0x3FA3]  }
0x2a: {  	p0 =	seq.s32 s5, $0x0;
	s5 =	sld [smem:$0x3FA4]  }
0x2b: {  	s6 =	sld [smem:$0x3FA5]  }
0x2c: {  	s7 =	sld [smem:$0x3FA6]  }
0x2d: {  	s3 =	simm.s32 $0x108;
	s8 =	sld [smem:$0x3FA7]  }
0x2e: {  	s3 =	simm.s32 @!p0 $0x1082;
	s9 =	sld [smem:$0x3FA8]  }
0x2f: {  	lr =	sadd.s32 s0, s3;
	s0 =	sld [smem:$0x3F9F]  }
0x30: {  	s3 =	sld [smem:$0x3FA2]  }
0x31: {  	[smem:$0x3FAB] =	sst s10  }
0x32: {  	s10 =	sld [smem:$0x3FA9];
	_ =	sdelay $0x3  }
0x33: {  	p0 =	seq.s32 s10, $0x1;
	s10 =	sld [smem:$0x3FAB];
	_ =	sdelay $0x3  }
0x34: {  	[smem:$0x3FAB] =	sst s10  }
0x35: {  	s10 =	sld [smem:$0x3FAA];
	_ =	sdelay $0x3  }
0x36: {  	p1 =	seq.s32 s10, $0x1;
	s10 =	sld [smem:$0x3FAB];
	_ =	sdelay $0x3  }
0x37: {  	[smem:$0x3FAB] =	sst s10  }
0x38: {  	s10 =	sld [smem:$0x3FAC]  }
0x39: {  	_ = 	snop;
	(pc) =	sbr.ind lr, $3  }
0x3a: {  	_ = 	snop  }
0x3b: {  	_ = 	snop  }
0x3c: {  	p2 =	seq.s32 s10, $0x1;
	s10 =	sld [smem:$0x3FAB]  }
0x3d: {  	_ =	shalt  }
0x3e: {  	_ =	shalt  }
0x3f: {  	_ =	shalt  }
0x40: {  	_ =	shalt  }
0x41: {  	_ =	shalt  }
0x42: {  	_ =	shalt  }
0x43: {  	_ =	shalt  }
0x44: {  	_ =	shalt  }
0x45: {  	_ =	shalt  }
0x46: {  	_ =	shalt  }
0x47: {  	_ =	shalt  }
0x48: {  	_ =	shalt  }
0x49: {  	_ =	shalt  }
0x4a: {  	_ =	shalt  }
0x4b: {  	_ =	shalt  }
0x4c: {  	_ =	shalt  }
0x4d: {  	_ =	shalt  }
0x4e: {  	_ =	shalt  }
0x4f: {  	_ =	shalt  }
0x50: {  	_ =	shalt  }
0x51: {  	_ =	shalt  }
0x52: {  	_ =	shalt  }
0x53: {  	_ =	shalt  }
0x54: {  	_ =	shalt  }
0x55: {  	_ =	shalt  }
0x56: {  	_ =	shalt  }
0x57: {  	_ =	shalt  }
0x58: {  	_ =	shalt  }
0x59: {  	_ =	shalt  }
0x5a: {  	_ =	shalt  }
0x5b: {  	_ =	shalt  }
0x5c: {  	_ =	shalt  }
0x5d: {  	_ =	shalt  }
0x5e: {  	_ =	shalt  }
0x5f: {  	_ =	shalt  }
0x60: {  	_ =	shalt  }
0x61: {  	_ =	shalt  }
0x62: {  	_ =	shalt  }
0x63: {  	_ =	shalt  }
0x64: {  	_ =	shalt  }
0x65: {  	_ =	shalt  }
0x66: {  	_ =	shalt  }
0x67: {  	_ =	shalt  }
0x68: {  	_ =	shalt  }
0x69: {  	_ =	shalt  }
0x6a: {  	_ =	shalt  }
0x6b: {  	_ =	shalt  }
0x6c: {  	_ =	shalt  }
0x6d: {  	_ =	shalt  }
0x6e: {  	_ =	shalt  }
0x6f: {  	_ =	shalt  }
0x70: {  	_ =	shalt  }
0x71: {  	_ =	shalt  }
0x72: {  	_ =	shalt  }
0x73: {  	_ =	shalt  }
0x74: {  	_ =	shalt  }
0x75: {  	_ =	shalt  }
0x76: {  	_ =	shalt  }
0x77: {  	_ =	shalt  }
0x78: {  	_ =	shalt  }
0x79: {  	_ =	shalt  }
0x7a: {  	_ =	shalt  }
0x7b: {  	_ =	shalt  }
0x7c: {  	_ =	shalt  }
0x7d: {  	_ =	shalt  }
0x7e: {  	_ =	shalt  }
0x7f: {  	_ =	shalt  }
0x80: {  	_ =	shalt  }
0x81: {  	_ =	shalt  }
0x82: {  	_ =	shalt  }
0x83: {  	_ =	shalt  }
0x84: {  	_ =	shalt  }
0x85: {  	_ =	shalt  }
0x86: {  	_ =	shalt  }
0x87: {  	_ =	shalt  }
.Lfunc_end0:
.L_simem_size_0:
called_computation_lowered:
.L_overlay_start_0:
0x88: {  	s2 =	sld [smem:$0x3FD9]  }
0x89: {  	s3 =	sld [smem:$0x3FFE];
	_ =	sdelay $0x1  }
0x8a: {  	s1 =	srdreg.scid  }
0x8b: {  	s0 =	sand.u32 $0x1, s1  }
0x8c: {  	s17 =	sshll.u32 s0, $0xA;
	s2 =	sadd.s32 s3, s2  }
0x8d: {  	s2 =	sadd.s32 s2, s17  }
0x8e: {  	[smem:$0x3FB7] =	sst s2  }
0x8f: {  	_ = 	snop  }
0x90: {  	s2 =	sld [smem:$0x3FC8]  }
0x91: {  	s18 =	sld [smem:$0x3FC7]  }
0x92: {  	s4 =	sld [smem:$0x3FC6]  }
0x93: {  	s5 =	sld [smem:$0x3FC5]  }
0x94: {  	s6 =	sld [smem:$0x3FC4]  }
0x95: {  	s7 =	sld [smem:$0x3FC3]  }
0x96: {  	s8 =	sld [smem:$0x3FC2]  }
0x97: {  	s9 =	sld [smem:$0x3FD0];
	(tm) =	ssettm $0x1  }
0x98: {  	s10 =	sld [smem:$0x3FFB];
	_ =	sdelay $0x3  }
0x99: {  	_ =	strace s10  }
0x9a: {  	s10 =	sld [smem:$0x3FFC];
	_ =	sdelay $0x3  }
0x9b: {  	_ =	strace s10  }
0x9c: {  	s10 =	sld [smem:$0x3FFD];
	_ =	sdelay $0x3  }
0x9d: {  	_ =	strace s10  }
0x9e: {  	_ =	strace $0x8FFFFFFF  }
0x9f: {  	s19 =	sld [smem:$0x3FDB];
	_ =	sdelay $0x1  }
0xa0: {  	s11 =	simm.s32 $_scs_section_size  }
0xa1: {  	s12 =	simm.s32 $_size__tile_overlayer_lowered;
	s13 =	simm.s32 $_tile_overlayer_lowered  }
0xa2: {  	s22 =	simm.s32 $0x1BFF;
	s21 =	sshll.u32 s13, $0x1;
	s10 =	sadd.s32 s11, s19  }
0xa3: {  	s14 =	simm.s32 $0x0;
	s20 =	sshll.u32 s12, $0x1;
	s12 =	sadd.s32 s21, s10  }
0xa4: {  	[timem:s14], [sflag:s22] =	dma.local [hbm:s12], s20  }
0xa5: {  	_ =	swait.ge [sflag:s22], s20  }
0xa6: {  	s11 =	ssub.s32 $0x0, s20;
	[sflag:s22] =	ssyncset.done $0x0  }
0xa7: {  	[sflag:s22] =	ssyncadd.s32 s11;
	_ =	sdelay $0x1  }
0xa8: {  	s23 =	simm.s32 $0x1B8B  }
0xa9: {  	_ =	swait.ge [sflag:s23], $0x1  }
0xaa: {  	[sflag:s23] =	ssyncset.done $0x0  }
0xab: {  	s25 =	simm.s32 $0x1B8E;
	s24 =	sld [smem:$0x3FFE];
	[sflag:s23] =	ssyncadd.s32 $0xFFFFFFFF  }
0xac: {  	s26 =	simm.s32 $execute0_lowered;
	[smem:$0x3FD2] =	sst s25  }
0xad: {  	s12 =	sshll.u32 s26, $0x1;
	_ =	strace $0x80000046;
	[dreg:$0x1] =	wrdreg $0xFFFFFFFF  }
0xae: {  	s28 =	simm.s32 $_size_execute0_lowered;
	s10 =	sadd.s32 s10, s12;
	[dreg:$0x0] =	wrdreg $0x0  }
0xaf: {  	s12 =	sshll.u32 s28, $0x1;
	[dreg:$0x2] =	wrdreg s10  }
0xb0: {  	[dreg:$0x3] =	wrdreg s12  }
0xb1: {  	[dreg:$0x4] =	wrdreg $0xC0  }
0xb2: {  	_ =	task [dreg:s14], $0x5FFFF  }
0xb3: {  	[dreg:$0x1] =	wrdreg $0xFFFFFFFF  }
0xb4: {  	[dreg:$0x0] =	wrdreg $0x60  }
0xb5: {  	[dreg:$0x2] =	wrdreg s24  }
0xb6: {  	[dreg:$0x3] =	wrdreg s18  }
0xb7: {  	[dreg:$0x4] =	wrdreg s2  }
0xb8: {  	[dreg:$0x5] =	wrdreg s4  }
0xb9: {  	[dreg:$0x6] =	wrdreg s5  }
0xba: {  	[dreg:$0x7] =	wrdreg s6  }
0xbb: {  	[dreg:$0x8] =	wrdreg s7  }
0xbc: {  	[dreg:$0x9] =	wrdreg s8  }
0xbd: {  	[dreg:$0xa] =	wrdreg s9  }
0xbe: {  	[dreg:$0xb] =	wrdreg $0x9  }
0xbf: {  	_ =	task.clear_ibuf [dreg:s14], $0xCFFFF;
	_ =	strace $0x90000046  }
0xc0: {  	s29 =	simm.s32 $0x9;
	_ =	strace $0x80000048  }
0xc1: {  	_ =	swait.ge [sflag:s29], $0x1  }
0xc2: {  	[sflag:s29] =	ssyncadd.s32 $0xFFFFFFFF  }
0xc3: {  	_ =	strace $0x90000048  }
0xc4: {  	_ =	sfence  }
0xc5: {  	s30 =	sld [smem:$0x0];
	_ =	sdelay $0x2  }
0xc6: {  	s31 =	sshll.u32 s1, $0xD;
	s1 =	sshrl.u32 s1, $0x2  }
0xc7: {  	s3 =	sand.u32 $0x4000, s31;
	s1 =	sadd.s32 s1, s30  }
0xc8: {  	s0 =	sor.u32 s3, s0;
	s1 =	sshll.u32 s1, $0x11  }
0xc9: {  	s0 =	sor.u32 s1, s0  }
0xca: {  	s0 =	sadd.s32 $0x8F2B, s0  }
0xcb: {  	[sflag:s0] =	ssyncadd.remote.s32 $0x1  }
0xcc: {  	_ =	sfence.sel $0xFFFF  }
0xcd: {  	[dreg:$0x0] =	wrdreg $0xFFFFFFFF;
	(pc) =	sbr.abs _section_cstart, $3  }
0xce: {  	[dreg:$0x1] =	wrdreg $0xFFFFFFFF  }
0xcf: {  	_ =	task.clear_ibuf [dreg:s14], $0x2FFFF;
	_ =	strace $0x9FFFFFFF  }
0xd0: {  	(tm) =	ssettm $0x7FFFFFFF  }
0xd1: {  	_ =	shalt  }
tec
execute0_lowered:
.L_overlay_start_1:
0x0: {  	(tag) =	ssettag $0x1  }
0x1: {  	s1 =	rddreg [dreg:$0x0]  }
0x2: {  	s0 =	rddreg [dreg:$0x1]  }
0x3: {  	s2 =	rddreg [dreg:$0x8];
	v0 =	vimm.s32 $0xFEDCBA98;
	v1 =	vimm.s32 $0x76543210  }
0x4: {  	s3 =	srdreg.scid;
	s4 =	stileid.u32;
	v3 =	vimm.s32 $0x32107654;
	v4 =	vimm.s32 $0xDCFE98BA;
	v5 =	vimm.s32 $0x54761032  }
0x5: {  	s9 =	simm.s32 $0x0;
	v6 =	vimm.s32 $0xEFCDAB89;
	v7 =	vimm.s32 $0x67452301;
	s15 =	simm.s32 $0x3;
	s23 =	simm.s32 $0x1;
	v0 =	vunpack.c.l.s4.s8 v0  }
0x6: {  	s24 =	simm.s32 $0x3200;
	s28 =	simm.s32 $0x3C00;
	s29 =	simm.s32 $0x3C80;
	v1 =	vunpack.c.l.s4.s8 v1;
	v3 =	vunpack.c.l.s4.s8 v3;
	v4 =	vunpack.c.l.s4.s8 v4  }
0x7: {  	s30 =	simm.s32 $0x3D00;
	s3 =	sand.u32 $0x1, s3;
	s4 =	sshll.u32 s4, $0x1;
	v5 =	vunpack.c.l.s4.s8 v5;
	v2 =	vunpack.c.0.s8.s32 v0;
	v0 =	vimm.s32 $0xBA98FEDC  }
0x8: {  	s31 =	simm.s32 $0x2;
	v6 =	vunpack.c.l.s4.s8 v6;
	v7 =	vunpack.c.l.s4.s8 v7;
	s4 =	sor.u32 s3, s4;
	s3 =	ssub.s32 $0x2, s3;
	v0 =	vunpack.c.l.s4.s8 v0  }
0x9: {  	[smem:$0x7FF] =	sst s9;
	s5 =	smul.u32 $0x280, s4;
	s25 =	sshrl.u32 s3, $0x1;
	v3 =	vunpack.c.0.s8.s32 v3;
	v4 =	vunpack.c.0.s8.s32 v4;
	v5 =	vunpack.c.0.s8.s32 v5  }
0xa: {  	s6 =	smul.u32 $0x5000, s4;
	s10 =	sshll.u32 s4, $0x6;
	s4 =	sshll.u32 s4, $0x3;
	v6 =	vunpack.c.0.s8.s32 v6;
	v7 =	vunpack.c.0.s8.s32 v7;
	v0 =	vunpack.c.0.s8.s32 v0  }
0xb: {  	_ =	strace $0x80000047;
	v8 =	vunpack.c.0.s8.s32 v1;
	s3 =	ssub.s32 s3, s25;
	s13 =	sadd.s32 s2, s4;
	v1 =	vcombine.low v5, v4  }
0xc: {  	s25 =	simm.s32 $0x3E00;
	s1 =	sadd.s32 s5, s1;
	s26 =	sadd.s32 s0, s6;
	v0 =	vcombine.low v3, v0;
	v3 =	vand.u32 $0xF, v2;
	v2 =	vcombine.low v7, v6  }
0xd: {  	vm0 =	vmmov $0xff;
	s2 =	simm.s32 $0x0;
	s1 =	sadd.s32 $0x1400, s1;
	[dreg:$0xb] =	wrdreg s26;
	v5 =	vand.u32 $0xF, v1;
	v7 =	vimm.f32 $0.0e+00  }
0xe: {  	s14 =	smax.u32 s3, $0x1;
	s26 =	simm.s32 $0x3E80;
	[dreg:$0xa] =	wrdreg s1;
	v3 =	vcombine.low v3, v8;
	v4 =	vand.u32 $0xF, v0;
	v6 =	vand.u32 $0xF, v2  }
.LBB2_1:
0xf: {  	s1 =	rddreg [dreg:$0x2]  }
0x10: {  	[tilespmem:s9], [sflag:$0x3] =	stream.linear.gather [hbm4b:s1+s9], $0x1400, $0x38;
	[tilespmem:$0x4900] =	vst v63  }
0x11: {  	_ =	swait.ge [sflag:s15], $0x1400  }
0x12: {  	[sflag:s15] =	ssyncset.done $0x0  }
0x13: {  	[sflag:s15] =	ssyncadd.s32 $0xFFFFEC00  }
0x14: {  	s3 =	simm.s32 $0x3D80;
	s5 =	rddreg [dreg:$0x3]  }
0x15: {  	[tilespmem:s3], [sflag:$0x3] =	stream.linear.gather [hbm4b:s5+s9], $0x8, $0x38;
	[tilespmem:$0x4900] =	vst v63  }
0x16: {  	_ =	swait.ge [sflag:s15], $0x8  }
0x17: {  	[sflag:s15] =	ssyncset.done $0x0  }
0x18: {  	[sflag:s15] =	ssyncadd.s32 $0xFFFFFFF8  }
0x19: {  	s7 =	simm.s32 $0x3D90;
	s6 =	rddreg [dreg:$0x4]  }
0x1a: {  	[tilespmem:s7], [sflag:$0x3] =	stream.linear.gather [hbm4b:s6+s9], $0x8, $0x38;
	[tilespmem:$0x4900] =	vst v63  }
0x1b: {  	_ =	swait.ge [sflag:s15], $0x8  }
0x1c: {  	[sflag:s15] =	ssyncset.done $0x0  }
0x1d: {  	[sflag:s15] =	ssyncadd.s32 $0xFFFFFFF8  }
0x1e: {  	s11 =	simm.s32 $0x3DA0;
	s8 =	rddreg [dreg:$0x5]  }
0x1f: {  	[tilespmem:s11], [sflag:$0x3] =	stream.linear.gather [hbm4b:s8+s9], $0x8, $0x38;
	[tilespmem:$0x4900] =	vst v63  }
0x20: {  	_ =	swait.ge [sflag:s15], $0x8  }
0x21: {  	[sflag:s15] =	ssyncset.done $0x0  }
0x22: {  	[sflag:s15] =	ssyncadd.s32 $0xFFFFFFF8  }
0x23: {  	s16 =	simm.s32 $0x3DB0;
	s12 =	rddreg [dreg:$0x6]  }
0x24: {  	[tilespmem:s16], [sflag:$0x3] =	stream.linear.gather [hbm4b:s12+s9], $0x8, $0x38;
	[tilespmem:$0x4900] =	vst v63  }
0x25: {  	_ =	swait.ge [sflag:s15], $0x8  }
0x26: {  	[sflag:s15] =	ssyncset.done $0x0  }
0x27: {  	[sflag:s15] =	ssyncadd.s32 $0xFFFFFFF8  }
0x28: {  	s18 =	simm.s32 $0x3DC0;
	s17 =	rddreg [dreg:$0x7]  }
0x29: {  	[tilespmem:s18], [sflag:$0x3] =	stream.linear.gather [hbm4b:s17+s9], $0x8, $0x38;
	[tilespmem:$0x4900] =	vst v63  }
0x2a: {  	_ =	swait.ge [sflag:s15], $0x8  }
0x2b: {  	[sflag:s15] =	ssyncset.done $0x0  }
0x2c: {  	s20 =	simm.s32 $0x1400;
	s19 =	rddreg [dreg:$0xa];
	[sflag:s15] =	ssyncadd.s32 $0xFFFFFFF8  }
0x2d: {  	[tilespmem:s20], [sflag:$0x3] =	stream.linear.gather [hbm4b:s19+s9], $0x1400, $0x38;
	[tilespmem:$0x4900] =	vst v63  }
0x2e: {  	_ =	swait.ge [sflag:s15], $0x1400  }
0x2f: {  	[sflag:s15] =	ssyncset.done $0x0  }
0x30: {  	[sflag:s15] =	ssyncadd.s32 $0xFFFFEC00  }
0x31: {  	v8 =	vld [tilespmem:$0x3D80]  }
0x32: {  	v9 =	vld [tilespmem:$0x3D90]  }
0x33: {  	v10 =	vld [tilespmem:$0x3DA0]  }
0x34: {  	v11 =	vld [tilespmem:$0x3DB0]  }
0x35: {  	v12 =	vld [tilespmem:$0x3DC0];
	_ =	sdelay $0x2  }
0x36: {  	v9 =	vmul.f32 v9, v8;
	_ =	sdelay $0x1  }
0x37: {  	v8 =	vmul.f32 v10, v8;
	v11 =	vmul.f32 v12, v11;
	v9 =	vnsel vm0, $0x0, v9  }
0x38: {  	s21 =	sand.u32 $0x40, s9;
	v10 =	vperm.xlane v9, v3  }
0x39: {  	s22 =	sand.u32 $0x1F00, s9;
	s6 =	sor.u32 $0x30, s21;
	v8 =	vnsel vm0, $0x0, v8;
	v11 =	vnsel vm0, $0x0, v11  }
0x3a: {  	s4 =	sor.u32 s6, s22;
	s17 =	sor.u32 $0x20, s21;
	v12 =	vperm.xlane v11, v3;
	v9 =	vadd.f32 v10, v9;
	v10 =	vperm.xlane v8, v3  }
0x3b: {  	s7 =	sor.u32 s17, s22;
	v15 =	vld [tilespmem:s4+$0x80]  }
0x3c: {  	s1 =	sor.u32 s21, s22;
	v17 =	vld [tilespmem:s7+$0x80];
	v13 =	vperm.xlane v9, v4;
	v8 =	vadd.f32 v10, v8;
	v10 =	vadd.f32 v12, v11  }
0x3d: {  	s8 =	sor.u32 $0x10, s21;
	v18 =	vld [tilespmem:s1+$0x80]  }
0x3e: {  	s3 =	simm.s32 $0x40;
	s5 =	sor.u32 s8, s22;
	v12 =	vld [tilespmem:s4+$0x0];
	v9 =	vadd.f32 v13, v9;
	v11 =	vperm.xlane v8, v4;
	v14 =	vperm.xlane v10, v4  }
0x3f: {  	s11 =	simm.s32 $0x80;
	s16 =	sand.u32 $0x40, s3;
	v13 =	vld [tilespmem:s5+$0x80]  }
0x40: {  	s19 =	sand.u32 $0x1F00, s11;
	v20 =	vld [tilespmem:s5+$0x0];
	s4 =	sor.u32 $0x30, s16;
	v16 =	vperm.xlane v9, v5;
	v11 =	vadd.f32 v11, v8;
	v19 =	vadd.f32 v14, v10  }
0x41: {  	s12 =	sand.u32 $0xF80, s9;
	v21 =	vld [tilespmem:s7+$0x0];
	v22 =	vshll.u32 v15, $0x8;
	s18 =	sor.u32 s4, s19  }
0x42: {  	s20 =	sadd.s32 $0x3F00, s12;
	v15 =	vld [tilespmem:s18+$0x80];
	v8 =	vadd.f32 v16, v9;
	v10 =	vperm.xlane v11, v5;
	v16 =	vperm.xlane v19, v5  }
0x43: {  	s21 =	sor.u32 s6, s20;
	s6 =	sor.u32 $0x20, s16;
	v14 =	vld [tilespmem:s1+$0x0];
	v12 =	vor.u32 v12, v22;
	v22 =	vshll.u32 v17, $0x8  }
0x44: {  	s7 =	sor.u32 s16, s19;
	s5 =	sor.u32 $0x10, s16;
	s16 =	sor.u32 s6, s19;
	v13 =	vshll.u32 v13, $0x8;
	v10 =	vadd.f32 v10, v11;
	v11 =	vadd.f32 v16, v19;
	v16 =	vld [tilespmem:s18+$0x0]  }
0x45: {  	s22 =	sor.u32 s8, s20;
	s8 =	simm.s32 $0x4;
	[tilespmem:s21+$0x0] =	vst v12;
	v9 =	vperm.xlane v8, v6;
	s18 =	sor.u32 s5, s19;
	v20 =	vor.u32 v20, v13;
	v19 =	vshll.u32 v18, $0x8;
	v18 =	vld [tilespmem:s16+$0x80]  }
0x46: {  	s1 =	simm.s32 $0x3F00;
	s19 =	sor.u32 s17, s20;
	s17 =	simm.s32 $0x100;
	v17 =	vld [tilespmem:s18+$0x80];
	[tilespmem:s22+$0x0] =	vst v20;
	v20 =	vor.u32 v21, v22;
	v12 =	vperm.xlane v10, v6;
	v13 =	vperm.xlane v11, v6  }
.LBB2_2:
0x47: {  	s20 =	sand.u32 $0x1F00, s17  }
0x48: {  	v21 =	vld [tilespmem:s7+$0x80];
	s21 =	sand.u32 $0xF80, s3;
	s3 =	sadd.s32 $0x40, s3;
	v14 =	vor.u32 v14, v19;
	[tilespmem:s19+$0x0] =	vst v20;
	s8 =	sadd.s32 $0x4, s8  }
0x49: {  	s19 =	sand.u32 $0x40, s3;
	v20 =	vld [tilespmem:s18+$0x0];
	s21 =	sadd.s32 $0x3F00, s21;
	v15 =	vshll.u32 v15, $0x8;
	[tilespmem:s1+$0x0] =	vst v14;
	p0 =	slt.u32 s8, $0x9C  }
0x4a: {  	v22 =	vld [tilespmem:s16+$0x0];
	v15 =	vor.u32 v16, v15;
	s16 =	sor.u32 s4, s21;
	s4 =	sor.u32 $0x30, s19;
	s22 =	sor.u32 $0x10, s19  }
.Ltmp0:
0x4b: {  	s11 =	sor.u32 $0x20, s19;
	s12 =	sor.u32 s4, s20;
	v14 =	vld [tilespmem:s7+$0x0];
	v23 =	vshll.u32 v17, $0x8;
	[tilespmem:s16+$0x0] =	vst v15;
	(pc) =	sbr.rel @p0 .LBB2_2-.Ltmp0, $4  }
0x4c: {  	s7 =	sor.u32 s19, s20;
	s18 =	sor.u32 s22, s20;
	s16 =	sor.u32 s11, s20;
	v15 =	vld [tilespmem:s12+$0x80];
	v24 =	vshll.u32 v18, $0x8  }
0x4d: {  	s19 =	sor.u32 s6, s21;
	v16 =	vld [tilespmem:s12+$0x0];
	v19 =	vshll.u32 v21, $0x8;
	s12 =	sor.u32 s5, s21;
	s5 =	smov.u32 s22  }
0x4e: {  	s6 =	smov.u32 s11;
	v17 =	vld [tilespmem:s18+$0x80];
	v20 =	vor.u32 v20, v23  }
0x4f: {  	s17 =	sadd.s32 $0x80, s17;
	s1 =	sadd.s32 $0x40, s1;
	v18 =	vld [tilespmem:s16+$0x80];
	[tilespmem:s12+$0x0] =	vst v20;
	v20 =	vor.u32 v22, v24  }
0x50: {  	v21 =	vld [tilespmem:s7+$0x80]  }
0x51: {  	v22 =	vld [tilespmem:s18+$0x0]  }
0x52: {  	v23 =	vld [tilespmem:s16+$0x0]  }
0x53: {  	s3 =	sand.u32 $0xF80, s3;
	v24 =	vld [tilespmem:s7+$0x0]  }
0x54: {  	v14 =	vor.u32 v14, v19;
	[tilespmem:s19+$0x0] =	vst v20;
	s3 =	sadd.s32 $0x3F00, s3;
	v15 =	vshll.u32 v15, $0x8  }
0x55: {  	[tilespmem:s1+$0x0] =	vst v14;
	v14 =	vor.u32 v16, v15;
	s4 =	sor.u32 s4, s3;
	v15 =	vshll.u32 v17, $0x8  }
0x56: {  	s20 =	sor.u32 s5, s3;
	[tilespmem:s4+$0x0] =	vst v14;
	v14 =	vshll.u32 v18, $0x8;
	v15 =	vor.u32 v22, v15  }
0x57: {  	s3 =	sor.u32 s6, s3;
	v63 =	vshll.u32 v21, $0x8;
	v14 =	vor.u32 v23, v14;
	[tilespmem:s20+$0x0] =	vst v15  }
0x58: {  	s21 =	sadd.s32 $0x40, s1;
	v8 =	vadd.f32 v9, v8;
	v9 =	vadd.f32 v12, v10;
	v15 =	vor.u32 v24, v63;
	[tilespmem:s3+$0x0] =	vst v14  }
0x59: {  	v10 =	vadd.f32 v13, v11;
	[tilespmem:s21+$0x0] =	vst v15  }
0x5a: {  	s7 =	simm.s32 $0x0;
	s22 =	simm.s32 $0x2800;
	v11 =	vand.u32 $0x7FFFFFFF, v8;
	v12 =	vand.u32 $0x7FFFFFFF, v9;
	s1 =	rddreg [dreg:$0xb]  }
0x5b: {  	v11 =	vadd.f32 v12, v11;
	v12 =	vand.u32 $0x7FFFFFFF, v10;
	[tilespmem:s22], [sflag:$0x1] =	stream.linear.gather [hbm4b:s1+s7], $0xA00, $0x38;
	[tilespmem:$0x4900] =	vst v63  }
.LBB2_4:
0x5c: {  	s1 =	sshll.u32 s7, $0x1  }
0x5d: {  	s3 =	sadd.s32 s10, s1  }
0x5e: {  	s3 =	smul.u32 $0xA00, s3;
	_ =	sdelay $0x1  }
0x5f: {  	_ =	swait.ge [sflag:s23], $0xA00;
	s4 =	sshrl.u32 s3, $0x3  }
0x60: {  	[sflag:s23] =	ssyncset.done $0x0;
	s4 =	sadd.s32 s0, s4  }
0x61: {  	[sflag:s23] =	ssyncadd.s32 $0xFFFFF600;
	s4 =	sadd.s32 $0x140, s4  }
0x62: {  	[tilespmem:s24], [sflag:$0x2] =	stream.linear.gather [hbm4b:s4+s9], $0xA00, $0x38;
	[tilespmem:$0x4900] =	vst v63  }
0x63: {  	[tilespmem:$0x3C00] =	vst v7  }
0x64: {  	[tilespmem:$0x3C80] =	vst v7  }
0x65: {  	[tilespmem:$0x3C10] =	vst v7  }
0x66: {  	[tilespmem:$0x3C90] =	vst v7  }
0x67: {  	[tilespmem:$0x3C20] =	vst v7  }
0x68: {  	[tilespmem:$0x3CA0] =	vst v7  }
0x69: {  	[tilespmem:$0x3C30] =	vst v7  }
0x6a: {  	s22 =	smul.u32 $0x280, s7;
	[tilespmem:$0x3CB0] =	vst v7  }
0x6b: {  	[tilespmem:$0x3C40] =	vst v7  }
0x6c: {  	s4 =	sshra.s32 s22, $0x2;
	[tilespmem:$0x3CC0] =	vst v7  }
0x6d: {  	v13 =	vld [tilespmem:s4+$0x1400];
	_ =	sdelay $0x4  }
0x6e: {  	v14 =	vmul.f32 v13, v9  }
0x6f: {  	[tilespmem:$0x3E00] =	vst v13  }
0x70: {  	[tilespmem:$0x3E80] =	vst v14  }
0x71: {  	v14 =	vld [tilespmem:s4+$0x1410];
	_ =	sdelay $0x4  }
0x72: {  	v15 =	vmul.f32 v14, v9  }
0x73: {  	[tilespmem:$0x3E10] =	vst v14  }
0x74: {  	[tilespmem:$0x3E90] =	vst v15  }
0x75: {  	v15 =	vld [tilespmem:s4+$0x1420];
	_ =	sdelay $0x4  }
0x76: {  	v16 =	vmul.f32 v15, v9  }
0x77: {  	[tilespmem:$0x3E20] =	vst v15  }
0x78: {  	[tilespmem:$0x3EA0] =	vst v16  }
0x79: {  	v16 =	vld [tilespmem:s4+$0x1430];
	_ =	sdelay $0x4  }
0x7a: {  	v17 =	vmul.f32 v16, v9  }
0x7b: {  	[tilespmem:$0x3E30] =	vst v16  }
0x7c: {  	[tilespmem:$0x3EB0] =	vst v17  }
0x7d: {  	v17 =	vld [tilespmem:s4+$0x1440];
	_ =	sdelay $0x4  }
0x7e: {  	v18 =	vmul.f32 v17, v9  }
0x7f: {  	[tilespmem:$0x3E40] =	vst v17  }
0x80: {  	s5 =	simm.s32 $0x3F40;
	[tilespmem:$0x3EC0] =	vst v18  }
0x81: {  	v18 =	vld [tilespmem:s5+$0x30];
	_ =	sdelay $0x1  }
0x82: {  	v13 =	vand.u32 $0x7FFFFFFF, v13  }
0x83: {  	v13 =	vmax.f32 v13, $0.0e+00;
	v14 =	vand.u32 $0x7FFFFFFF, v14  }
0x84: {  	v13 =	vmax.f32 v13, v14;
	v14 =	vand.u32 $0x7FFFFFFF, v15  }
0x85: {  	v13 =	vmax.f32 v13, v14;
	v14 =	vand.u32 $0x7FFFFFFF, v16;
	s4 =	simm.s32 $0x2840;
	v19 =	vld [tilespmem:s5+$0x10];
	v16 =	vand.u32 $0xFF, v18  }
0x86: {  	v13 =	vmax.f32 v13, v14;
	v14 =	vand.u32 $0x7FFFFFFF, v17;
	v30 =	vld [tilespmem:s4+$0x0]  }
0x87: {  	v13 =	vmax.f32 v13, v14;
	v27 =	vld [tilespmem:s4+$0xFFFFFFC0];
	v25 =	vshra.s32 v18, $0x8  }
0x88: {  	v14 =	vperm.xlane v13, v3;
	v15 =	vld [tilespmem:s5+$0xFFFFFFC0]  }
0x89: {  	v20 =	vld [tilespmem:s5+$0xFFFFFFF0]  }
0x8a: {  	v13 =	vmax.f32 v13, v14;
	v26 =	vld.idx.msk [tilespmem:v16+s25+$0x0], $0xffff  }
0x8b: {  	v22 =	vld [tilespmem:s4+$0x30];
	v14 =	vperm.xlane v13, v0  }
0x8c: {  	v24 =	vld.idx.msk [tilespmem:v25+s26+$0x0], $0xffff  }
0x8d: {  	v21 =	vld [tilespmem:s5+$0xFFFFFFE0];
	v23 =	vmax.f32 v13, v14  }
0x8e: {  	v17 =	vld [tilespmem:s5+$0xFFFFFFD0];
	v13 =	vshra.s32 v15, $0x8;
	v28 =	vperm.xlane v23, v1;
	v16 =	vand.u32 $0xFF, v19  }
0x8f: {  	v31 =	vld [tilespmem:s5+$0x20];
	v14 =	vshra.s32 v19, $0x8;
	v19 =	vand.u32 $0xFF, v15;
	v15 =	vmul.f32 v26, v8  }
0x90: {  	v32 =	vld [tilespmem:s5+$0x0];
	v23 =	vmax.f32 v23, v28  }
0x91: {  	v33 =	vld [tilespmem:s4+$0xFFFFFFD0];
	v22 =	vmul.f32 v22, v10;
	v29 =	vperm.xlane v23, v2;
	v24 =	vadd.f32 v24, v15  }
0x92: {  	v42 =	vld [tilespmem:s4+$0xFFFFFFE0];
	v28 =	vand.u32 $0xFF, v20  }
0x93: {  	v34 =	vand.u32 $0xFF, v17;
	v23 =	vmax.f32 v23, v29;
	v16 =	vld.idx.msk [tilespmem:v16+s25+$0x0], $0xffff;
	v39 =	vadd.f32 v22, v24  }
0x94: {  	v18 =	vld [tilespmem:s4+$0x10];
	v36 =	vand.u32 $0xFF, v21;
	v22 =	vmul.f32 v23, v11  }
0x95: {  	v37 =	vld.idx.msk [tilespmem:v14+s26+$0x0], $0xffff;
	v15 =	vshra.s32 v17, $0x8;
	v24 =	vshra.s32 v21, $0x8;
	v21 =	vmul.f32 $2.000000030e-01, v39  }
0x96: {  	v17 =	vld.idx.msk [tilespmem:v19+s25+$0x0], $0xffff;
	v22 =	vadd.f32 v22, v12  }
0x97: {  	v38 =	vand.u32 $0xFF, v32;
	v19 =	vld.idx.msk [tilespmem:v28+s25+$0x0], $0xffff;
	v21 =	vmax.f32 v39, v21  }
0x98: {  	v23 =	vld.idx.msk [tilespmem:v34+s25+$0x0], $0xffff;
	v28 =	vmul.f32 v16, v8;
	v21 =	vsub.f32 v21, v22  }
0x99: {  	v60 =	vand.u32 $0xFF, v31;
	v35 =	vld.idx.msk [tilespmem:v13+s26+$0x0], $0xffff  }
0x9a: {  	v59 =	vmul.f32 v18, v10;
	v57 =	vld.idx.msk [tilespmem:v15+s26+$0x0], $0xffff;
	v58 =	vadd.f32 v37, v28;
	v61 =	vmul.f32 $1.442695020e+00, v21  }
0x9b: {  	v29 =	vld.idx.msk [tilespmem:v36+s25+$0x0], $0xffff  }
0x9c: {  	v18 =	vld.idx.msk [tilespmem:v38+s25+$0x0], $0xffff;
	v28 =	vshra.s32 v20, $0x8;
	v37 =	vadd.f32 v59, v58;
	(erf) = vpow2.f32 v61  }
0x9d: {  	v20 =	vshra.s32 v32, $0x8;
	v41 =	vld.idx.msk [tilespmem:v24+s26+$0x0], $0xffff;
	v40 =	vmul.f32 v23, v8  }
0x9e: {  	v62 =	vmul.f32 v27, v10;
	v27 =	vld.idx.msk [tilespmem:v60+s25+$0x0], $0xffff;
	v21 =	vshra.s32 v31, $0x8;
	v31 =	vmul.f32 $2.000000030e-01, v37  }
0x9f: {  	v43 =	vmul.f32 v17, v8;
	v36 =	vadd.f32 v57, v40;
	v40 =	vld [tilespmem:s4+$0xFFFFFFF0]  }
0xa0: {  	v33 =	vmul.f32 v33, v10;
	v44 =	vmul.f32 v29, v8;
	v32 =	vld [tilespmem:s4+$0x20];
	v31 =	vmax.f32 v37, v31  }
0xa1: {  	v42 =	vmul.f32 v42, v10;
	v35 =	vadd.f32 v35, v43;
	v38 =	vld.idx.msk [tilespmem:v28+s26+$0x0], $0xffff;
	v63 =	vsub.f32 v31, v22  }
0xa2: {  	v34 =	vmul.f32 v19, v8;
	v39 =	vadd.f32 v33, v36;
	v31 =	vadd.f32 v41, v44;
	v33 =	vld.idx.msk [tilespmem:v20+s26+$0x0], $0xffff  }
0xa3: {  	s6 =	simm.s32 $0x3FC0;
	s5 =	simm.s32 $0x0;
	v41 =	vadd.f32 v62, v35;
	v36 =	vmul.f32 v30, v10;
	v37 =	vmul.f32 $1.442695020e+00, v63;
	v35 =	vld.idx.msk [tilespmem:v21+s26+$0x0], $0xffff  }
.LBB2_5:
0xa4: {  	v43 =	vld [tilespmem:s6+$0x10];
	s5 =	sadd.s32 $0x8, s5;
	v44 =	vmul.f32 $2.000000030e-01, v39;
	v42 =	vadd.f32 v42, v31;
	v40 =	vmul.f32 v40, v10;
	s4 =	sadd.s32 $0x80, s4  }
0xa5: {  	v46 =	vmul.f32 v18, v8;
	v30 =	vld [tilespmem:s4+$0x0];
	p0 =	slt.u32 s5, $0x98;
	v45 =	vmul.f32 $2.000000030e-01, v41;
	v47 =	vpop (erf)  }
0xa6: {  	v34 =	vadd.f32 v38, v34;
	v31 =	vld [tilespmem:s4+$0xFFFFFFC0];
	v48 =	vmul.f32 $2.000000030e-01, v42;
	v26 =	vmul.f32 v47, v26  }
0xa7: {  	v39 =	vmax.f32 v39, v44;
	v38 =	vmax.f32 v41, v45;
	[tilespmem:v25+s28+$0x0] =	vst.idx.add.f32.msk $0xffff, v47  }
0xa8: {  	v39 =	vsub.f32 v39, v22;
	v34 =	vadd.f32 v40, v34;
	v41 =	vld [tilespmem:s6+$0x30];
	v42 =	vmax.f32 v42, v48  }
0xa9: {  	v38 =	vsub.f32 v38, v22;
	v40 =	vld [tilespmem:s6+$0xFFFFFFC0];
	v42 =	vsub.f32 v42, v22;
	(erf) = vpow2.f32 v37  }
0xaa: {  	v44 =	vadd.f32 v33, v46;
	v37 =	vmul.f32 $1.442695020e+00, v39;
	v39 =	vmul.f32 $2.000000030e-01, v34;
	[tilespmem:v25+s29+$0x0] =	vst.idx.add.f32.msk $0xffff, v26  }
0xab: {  	v33 =	vld [tilespmem:s6+$0xFFFFFFF0];
	v25 =	vmul.f32 $1.442695020e+00, v42  }
0xac: {  	v36 =	vadd.f32 v36, v44;
	v26 =	vmul.f32 $1.442695020e+00, v38;
	v34 =	vmax.f32 v34, v39;
	v42 =	vld [tilespmem:s6+$0xFFFFFFE0]  }
0xad: {  	v34 =	vsub.f32 v34, v22;
	v38 =	vld [tilespmem:s4+$0x10];
	(erf) = vpow2.f32 v25  }
0xae: {  	v44 =	vmul.f32 $2.000000030e-01, v36;
	v39 =	vshra.s32 v40, $0x8;
	v25 =	vand.u32 $0xFF, v40;
	v40 =	vld [tilespmem:s6+$0x20]  }
0xaf: {  	v46 =	vand.u32 $0xFF, v41;
	v50 =	vmul.f32 $1.442695020e+00, v34;
	v45 =	vld [tilespmem:s6+$0xFFFFFFD0]  }
0xb0: {  	v36 =	vmax.f32 v36, v44;
	v47 =	vld [tilespmem:s4+$0x30];
	(erf) = vpow2.f32 v37  }
0xb1: {  	v32 =	vmul.f32 v32, v10;
	v48 =	vmul.f32 v27, v8;
	v44 =	vand.u32 $0xFF, v43;
	v37 =	vld [tilespmem:s6+$0x0]  }
0xb2: {  	v43 =	vshra.s32 v43, $0x8;
	v36 =	vsub.f32 v36, v22;
	v49 =	vld [tilespmem:s4+$0xFFFFFFD0];
	(erf) = vpow2.f32 v50;
	v34 =	vpop (erf)  }
0xb3: {  	v50 =	vld.idx.msk [tilespmem:v39+s26+$0x0], $0xffff;
	v51 =	vmul.f32 v34, v16;
	v16 =	vadd.f32 v35, v48;
	(erf) = vpow2.f32 v26  }
0xb4: {  	v36 =	vmul.f32 $1.442695020e+00, v36;
	v35 =	vld.idx.msk [tilespmem:v25+s25+$0x0], $0xffff;
	v48 =	vshra.s32 v45, $0x8  }
0xb5: {  	v26 =	vld.idx.msk [tilespmem:v46+s25+$0x0], $0xffff;
	v32 =	vadd.f32 v32, v16  }
0xb6: {  	v25 =	vshra.s32 v41, $0x8;
	v46 =	vand.u32 $0xFF, v33;
	v16 =	vld.idx.msk [tilespmem:v44+s25+$0x0], $0xffff;
	v41 =	vpop (erf)  }
0xb7: {  	v52 =	vand.u32 $0xFF, v40;
	v44 =	vshra.s32 v40, $0x8;
	v29 =	vmul.f32 v41, v29;
	[tilespmem:v14+s28+$0x0] =	vst.idx.add.f32.msk $0xffff, v34  }
0xb8: {  	v40 =	vand.u32 $0xFF, v37;
	v34 =	vand.u32 $0xFF, v45;
	[tilespmem:v24+s28+$0x0] =	vst.idx.add.f32.msk $0xffff, v41;
	v41 =	vmul.f32 $2.000000030e-01, v32  }
0xb9: {  	v37 =	vshra.s32 v37, $0x8;
	[tilespmem:v24+s29+$0x0] =	vst.idx.add.f32.msk $0xffff, v29;
	v24 =	vpop (erf)  }
0xba: {  	[tilespmem:v15+s28+$0x0] =	vst.idx.add.f32.msk $0xffff, v24;
	v29 =	vmul.f32 v24, v23;
	v23 =	vmax.f32 v32, v41  }
0xbb: {  	v32 =	vand.u32 $0xFF, v42;
	v41 =	vld.idx.msk [tilespmem:v25+s26+$0x0], $0xffff;
	v23 =	vsub.f32 v23, v22;
	v24 =	vpop (erf)  }
0xbc: {  	v45 =	vmul.f32 v24, v19;
	v19 =	vld.idx.msk [tilespmem:v46+s25+$0x0], $0xffff;
	v46 =	vpop (erf);
	(erf) = vpow2.f32 v36  }
0xbd: {  	[tilespmem:v28+s28+$0x0] =	vst.idx.add.f32.msk $0xffff, v24;
	v23 =	vmul.f32 $1.442695020e+00, v23  }
0xbe: {  	v24 =	vshra.s32 v42, $0x8;
	[tilespmem:v13+s28+$0x0] =	vst.idx.add.f32.msk $0xffff, v46  }
0xbf: {  	v36 =	vmul.f32 v26, v8;
	[tilespmem:v28+s29+$0x0] =	vst.idx.add.f32.msk $0xffff, v45;
	(erf) = vpow2.f32 v23  }
0xc0: {  	v28 =	vmul.f32 v46, v17;
	v17 =	vmov v35;
	v23 =	vld.idx.msk [tilespmem:v34+s25+$0x0], $0xffff  }
0xc1: {  	v36 =	vadd.f32 v41, v36;
	v41 =	vmul.f32 v47, v10;
	v35 =	vld.idx.msk [tilespmem:v43+s26+$0x0], $0xffff  }
0xc2: {  	v34 =	vmul.f32 v19, v8;
	[tilespmem:v13+s29+$0x0] =	vst.idx.add.f32.msk $0xffff, v28;
	v13 =	vmov v39  }
0xc3: {  	v28 =	vadd.f32 v41, v36;
	[tilespmem:v15+s29+$0x0] =	vst.idx.add.f32.msk $0xffff, v29;
	v15 =	vmov v48  }
0xc4: {  	[tilespmem:v14+s29+$0x0] =	vst.idx.add.f32.msk $0xffff, v51;
	v14 =	vmov v43  }
0xc5: {  	v29 =	vld.idx.msk [tilespmem:v32+s25+$0x0], $0xffff;
	v32 =	vmul.f32 $2.000000030e-01, v28;
	v36 =	vpop (erf)  }
0xc6: {  	[tilespmem:v20+s28+$0x0] =	vst.idx.add.f32.msk $0xffff, v36  }
0xc7: {  	v39 =	vld.idx.msk [tilespmem:v48+s26+$0x0], $0xffff;
	v28 =	vmax.f32 v28, v32;
	v32 =	vmul.f32 v36, v18  }
0xc8: {  	v36 =	vmul.f32 v16, v8;
	v18 =	vld.idx.msk [tilespmem:v40+s25+$0x0], $0xffff;
	v28 =	vsub.f32 v28, v22;
	v40 =	vpop (erf)  }
0xc9: {  	[tilespmem:v20+s29+$0x0] =	vst.idx.add.f32.msk $0xffff, v32;
	v27 =	vmul.f32 v40, v27;
	v20 =	vmov v37  }
0xca: {  	v32 =	vadd.f32 v35, v36;
	v35 =	vmul.f32 v38, v10;
	v36 =	vmul.f32 $1.442695020e+00, v28;
	[tilespmem:v21+s28+$0x0] =	vst.idx.add.f32.msk $0xffff, v40  }
0xcb: {  	v37 =	vmul.f32 v29, v8;
	v28 =	vshra.s32 v33, $0x8;
	[tilespmem:v21+s29+$0x0] =	vst.idx.add.f32.msk $0xffff, v27;
	v21 =	vmov v44  }
0xcc: {  	v27 =	vmul.f32 v17, v8;
	v35 =	vadd.f32 v35, v32;
	v33 =	vld.idx.msk [tilespmem:v24+s26+$0x0], $0xffff;
	(erf) = vpow2.f32 v36  }
0xcd: {  	v36 =	vmul.f32 v23, v8;
	v41 =	vld [tilespmem:s4+$0xFFFFFFE0]  }
0xce: {  	v42 =	vmul.f32 $2.000000030e-01, v35;
	v32 =	vld [tilespmem:s4+$0x20]  }
.Ltmp1:
0xcf: {  	v43 =	vadd.f32 v50, v27;
	v36 =	vadd.f32 v39, v36;
	v40 =	vld [tilespmem:s4+$0xFFFFFFF0];
	(pc) =	sbr.rel @p0 .LBB2_5-.Ltmp1, $4  }
0xd0: {  	v39 =	vmul.f32 v49, v10;
	v27 =	vmax.f32 v35, v42;
	v38 =	vld.idx.msk [tilespmem:v28+s26+$0x0], $0xffff  }
0xd1: {  	v35 =	vmul.f32 v31, v10;
	v44 =	vsub.f32 v27, v22;
	v27 =	vld.idx.msk [tilespmem:v52+s25+$0x0], $0xffff  }
0xd2: {  	v39 =	vadd.f32 v39, v36;
	v31 =	vadd.f32 v33, v37;
	v42 =	vmul.f32 v41, v10;
	v33 =	vld.idx.msk [tilespmem:v20+s26+$0x0], $0xffff  }
0xd3: {  	s6 =	sadd.s32 $0x80, s6;
	v36 =	vmul.f32 v30, v10;
	v41 =	vadd.f32 v35, v43;
	v37 =	vmul.f32 $1.442695020e+00, v44;
	v35 =	vld.idx.msk [tilespmem:v21+s26+$0x0], $0xffff  }
0xd4: {  	v30 =	vadd.f32 v42, v31;
	_ =	sdelay $0x1  }
0xd5: {  	v31 =	vmul.f32 v40, v10;
	v34 =	vadd.f32 v38, v34;
	v58 =	vmul.f32 $2.000000030e-01, v30  }
0xd6: {  	v59 =	vmul.f32 $2.000000030e-01, v39;
	v61 =	vmul.f32 v18, v8  }
0xd7: {  	v60 =	vmul.f32 $2.000000030e-01, v41;
	v31 =	vadd.f32 v31, v34;
	v30 =	vmax.f32 v30, v58  }
0xd8: {  	(erf) = vpow2.f32 v37;
	v62 =	vmax.f32 v39, v59;
	v30 =	vsub.f32 v30, v22  }
0xd9: {  	v43 =	vmul.f32 v27, v8;
	v33 =	vadd.f32 v33, v61;
	v63 =	vmul.f32 $2.000000030e-01, v31  }
0xda: {  	v34 =	vmax.f32 v41, v60;
	v38 =	vsub.f32 v62, v22;
	v30 =	vmul.f32 $1.442695020e+00, v30  }
0xdb: {  	v44 =	vadd.f32 v35, v43;
	v33 =	vadd.f32 v36, v33;
	v31 =	vmax.f32 v31, v63  }
0xdc: {  	v31 =	vsub.f32 v31, v22;
	(erf) = vpow2.f32 v30;
	v30 =	vmul.f32 v32, v10  }
0xdd: {  	v34 =	vsub.f32 v34, v22;
	v45 =	vmul.f32 $1.442695020e+00, v38  }
0xde: {  	v36 =	vmul.f32 $2.000000030e-01, v33;
	v31 =	vmul.f32 $1.442695020e+00, v31;
	v30 =	vadd.f32 v30, v44  }
0xdf: {  	v46 =	vmul.f32 $1.442695020e+00, v34;
	(erf) = vpow2.f32 v45  }
0xe0: {  	v33 =	vmax.f32 v33, v36;
	(erf) = vpow2.f32 v31;
	v31 =	vmul.f32 $2.000000030e-01, v30  }
0xe1: {  	v33 =	vsub.f32 v33, v22  }
0xe2: {  	v47 =	vpop (erf);
	(erf) = vpow2.f32 v46;
	v30 =	vmax.f32 v30, v31  }
0xe3: {  	v26 =	vmul.f32 v47, v26;
	v31 =	vmul.f32 $1.442695020e+00, v33;
	v22 =	vsub.f32 v30, v22  }
0xe4: {  	[tilespmem:v25+s28+$0x0] =	vst.idx.add.f32.msk $0xffff, v47  }
0xe5: {  	[tilespmem:v25+s29+$0x0] =	vst.idx.add.f32.msk $0xffff, v26;
	v30 =	vpop (erf);
	(erf) = vpow2.f32 v31;
	v22 =	vmul.f32 $1.442695020e+00, v22  }
0xe6: {  	v25 =	vpop (erf);
	[tilespmem:v14+s28+$0x0] =	vst.idx.add.f32.msk $0xffff, v30;
	v16 =	vmul.f32 v30, v16  }
0xe7: {  	v26 =	vmul.f32 v25, v29;
	[tilespmem:v24+s28+$0x0] =	vst.idx.add.f32.msk $0xffff, v25;
	(erf) = vpow2.f32 v22  }
0xe8: {  	[tilespmem:v14+s29+$0x0] =	vst.idx.add.f32.msk $0xffff, v16  }
0xe9: {  	[tilespmem:v24+s29+$0x0] =	vst.idx.add.f32.msk $0xffff, v26;
	v22 =	vpop (erf)  }
0xea: {  	[tilespmem:v15+s28+$0x0] =	vst.idx.add.f32.msk $0xffff, v22;
	v24 =	vpop (erf)  }
0xeb: {  	v22 =	vmul.f32 v22, v23;
	v25 =	vpop (erf);
	[tilespmem:v28+s28+$0x0] =	vst.idx.add.f32.msk $0xffff, v24  }
0xec: {  	[tilespmem:v13+s28+$0x0] =	vst.idx.add.f32.msk $0xffff, v25;
	v17 =	vmul.f32 v25, v17  }
0xed: {  	v19 =	vmul.f32 v24, v19;
	[tilespmem:v15+s29+$0x0] =	vst.idx.add.f32.msk $0xffff, v22  }
0xee: {  	[tilespmem:v13+s29+$0x0] =	vst.idx.add.f32.msk $0xffff, v17;
	v13 =	vpop (erf)  }
0xef: {  	[tilespmem:v28+s29+$0x0] =	vst.idx.add.f32.msk $0xffff, v19;
	v14 =	vmul.f32 v13, v18  }
0xf0: {  	[tilespmem:v20+s28+$0x0] =	vst.idx.add.f32.msk $0xffff, v13;
	v13 =	vpop (erf)  }
0xf1: {  	[tilespmem:v20+s29+$0x0] =	vst.idx.add.f32.msk $0xffff, v14;
	v14 =	vmul.f32 v13, v27  }
0xf2: {  	[tilespmem:v21+s28+$0x0] =	vst.idx.add.f32.msk $0xffff, v13  }
0xf3: {  	[tilespmem:v21+s29+$0x0] =	vst.idx.add.f32.msk $0xffff, v14  }
0xf4: {  	v13 =	vld [tilespmem:$0x3C00];
	_ =	sdelay $0x1  }
0xf5: {  	v14 =	vld [tilespmem:$0x3C10];
	_ =	sdelay $0x1  }
0xf6: {  	v15 =	vld [tilespmem:$0x3C20]  }
0xf7: {  	v13 =	vadd.f32 $9.999999710e-10, v13  }
0xf8: {  	v16 =	vld [tilespmem:$0x3C30]  }
0xf9: {  	(erf) = vrcp.f32 v13;
	v13 =	vadd.f32 $9.999999710e-10, v14  }
0xfa: {  	v14 =	vld [tilespmem:$0x3C40]  }
0xfb: {  	(erf) = vrcp.f32 v13;
	v13 =	vadd.f32 $9.999999710e-10, v15;
	_ =	sdelay $0x1  }
0xfc: {  	(erf) = vrcp.f32 v13;
	v13 =	vadd.f32 $9.999999710e-10, v16;
	_ =	sdelay $0x1  }
0xfd: {  	v15 =	vld [tilespmem:$0x3C80];
	(erf) = vrcp.f32 v13;
	v13 =	vadd.f32 $9.999999710e-10, v14;
	_ =	sdelay $0x1  }
0xfe: {  	v14 =	vld [tilespmem:$0x3C90]  }
0xff: {  	(erf) = vrcp.f32 v13  }
0x100: {  	v16 =	vld [tilespmem:$0x3CA0];
	v13 =	vpop (erf)  }
0x101: {  	v13 =	vmul.f32 v13, v15  }
0x102: {  	v17 =	vld [tilespmem:$0x3CB0];
	v15 =	vpop (erf)  }
0x103: {  	v14 =	vmul.f32 v15, v14;
	v13 =	vadd.f32 $0.0e+00, v13  }
0x104: {  	v18 =	vld [tilespmem:$0x3CC0];
	v15 =	vpop (erf)  }
0x105: {  	v13 =	vadd.f32 v14, v13;
	v14 =	vmul.f32 v15, v16  }
0x106: {  	v15 =	vpop (erf)  }
0x107: {  	v13 =	vadd.f32 v14, v13;
	v14 =	vmul.f32 v15, v17  }
0x108: {  	v15 =	vpop (erf)  }
0x109: {  	v13 =	vadd.f32 v14, v13;
	v14 =	vmul.f32 v15, v18;
	_ =	sdelay $0x1  }
0x10a: {  	v13 =	vadd.f32 v14, v13;
	_ =	sdelay $0x1  }
0x10b: {  	v14 =	vperm.xlane v13, v3;
	_ =	sdelay $0x1  }
0x10c: {  	v13 =	vadd.f32 v13, v14;
	_ =	sdelay $0x1  }
0x10d: {  	v14 =	vperm.xlane v13, v0;
	_ =	sdelay $0x1  }
0x10e: {  	v13 =	vadd.f32 v13, v14;
	_ =	sdelay $0x1  }
0x10f: {  	v14 =	vperm.xlane v13, v1;
	_ =	sdelay $0x1  }
0x110: {  	v13 =	vadd.f32 v13, v14;
	v14 =	vmov s1  }
0x111: {  	v14 =	vand.u32 $0xFFFFFFFE, v14  }
0x112: {  	v15 =	vperm.xlane v13, v2;
	v14 =	vbroadcast v14, $0x0;
	_ =	sdelay $0x1  }
0x113: {  	v13 =	vadd.f32 v13, v15;
	_ =	sdelay $0x1  }
0x114: {  	v13 =	vmul.f32 $1.250000020e-02, v13;
	_ =	sdelay $0x1  }
0x115: {  	p0 =	seq.s32 s7, $0x1F;
	[tilespmem:v14+s30+$0x0] =	vst.idx.msk $0xffff, v13  }
0x116: {  	s3 =	sshrl.u32 @!p0 s3, $0x3;
	_ =	swait.ge [sflag:s31], $0xA00  }
0x117: {  	s4 =	simm.s32 @!p0 $0x0;
	s3 =	sadd.s32 @!p0 s0, s3;
	[sflag:s31] =	ssyncset.done $0x0  }
0x118: {  	s5 =	simm.s32 @!p0 $0x2800;
	s3 =	sadd.s32 @!p0 $0x280, s3;
	[sflag:s31] =	ssyncadd.s32 $0xFFFFF600  }
0x119: {  	[tilespmem:s5], [sflag:$0x1] =	stream.linear.gather @!p0 [hbm4b:s3+s4], $0xA00, $0x38;
	[tilespmem:$0x4900] =	vst v63  }
0x11a: {  	[tilespmem:$0x3C00] =	vst v7  }
0x11b: {  	[tilespmem:$0x3C80] =	vst v7  }
0x11c: {  	[tilespmem:$0x3C10] =	vst v7  }
0x11d: {  	[tilespmem:$0x3C90] =	vst v7  }
0x11e: {  	[tilespmem:$0x3C20] =	vst v7  }
0x11f: {  	[tilespmem:$0x3CA0] =	vst v7  }
0x120: {  	s1 =	sor.u32 $0x1, s1;
	[tilespmem:$0x3C30] =	vst v7  }
0x121: {  	s21 =	smul.u32 $0x140, s1;
	[tilespmem:$0x3CB0] =	vst v7  }
0x122: {  	[tilespmem:$0x3C40] =	vst v7  }
0x123: {  	s3 =	sshra.s32 s21, $0x2;
	[tilespmem:$0x3CC0] =	vst v7  }
0x124: {  	v13 =	vld [tilespmem:s3+$0x1400];
	_ =	sdelay $0x4  }
0x125: {  	v14 =	vmul.f32 v13, v9  }
0x126: {  	[tilespmem:$0x3E00] =	vst v13  }
0x127: {  	[tilespmem:$0x3E80] =	vst v14  }
0x128: {  	v14 =	vld [tilespmem:s3+$0x1410];
	_ =	sdelay $0x4  }
0x129: {  	v15 =	vmul.f32 v14, v9  }
0x12a: {  	[tilespmem:$0x3E10] =	vst v14  }
0x12b: {  	[tilespmem:$0x3E90] =	vst v15  }
0x12c: {  	v15 =	vld [tilespmem:s3+$0x1420];
	_ =	sdelay $0x4  }
0x12d: {  	v16 =	vmul.f32 v15, v9  }
0x12e: {  	[tilespmem:$0x3E20] =	vst v15  }
0x12f: {  	[tilespmem:$0x3EA0] =	vst v16  }
0x130: {  	v16 =	vld [tilespmem:s3+$0x1430];
	_ =	sdelay $0x4  }
0x131: {  	v17 =	vmul.f32 v16, v9  }
0x132: {  	[tilespmem:$0x3E30] =	vst v16  }
0x133: {  	[tilespmem:$0x3EB0] =	vst v17  }
0x134: {  	v17 =	vld [tilespmem:s3+$0x1440];
	_ =	sdelay $0x4  }
0x135: {  	v18 =	vmul.f32 v17, v9  }
0x136: {  	[tilespmem:$0x3E40] =	vst v17  }
0x137: {  	s22 =	simm.s32 $0x3F40;
	[tilespmem:$0x3EC0] =	vst v18  }
0x138: {  	v18 =	vld [tilespmem:s22+$0x30];
	_ =	sdelay $0x1  }
0x139: {  	v13 =	vand.u32 $0x7FFFFFFF, v13  }
0x13a: {  	v13 =	vmax.f32 v13, $0.0e+00;
	v14 =	vand.u32 $0x7FFFFFFF, v14  }
0x13b: {  	v13 =	vmax.f32 v13, v14;
	v14 =	vand.u32 $0x7FFFFFFF, v15  }
0x13c: {  	v13 =	vmax.f32 v13, v14;
	v14 =	vand.u32 $0x7FFFFFFF, v16;
	s3 =	simm.s32 $0x3270;
	v19 =	vld [tilespmem:s22+$0x10];
	v16 =	vand.u32 $0xFF, v18  }
0x13d: {  	v13 =	vmax.f32 v13, v14;
	v14 =	vand.u32 $0x7FFFFFFF, v17;
	v30 =	vld [tilespmem:s3+$0xFFFFFFD0]  }
0x13e: {  	v13 =	vmax.f32 v13, v14;
	v27 =	vld [tilespmem:s3+$0xFFFFFF90];
	v25 =	vshra.s32 v18, $0x8  }
0x13f: {  	v14 =	vperm.xlane v13, v3;
	v15 =	vld [tilespmem:s22+$0xFFFFFFC0]  }
0x140: {  	v20 =	vld [tilespmem:s22+$0xFFFFFFF0]  }
0x141: {  	v13 =	vmax.f32 v13, v14;
	v26 =	vld.idx.msk [tilespmem:v16+s25+$0x0], $0xffff  }
0x142: {  	v22 =	vld [tilespmem:s3+$0x0];
	v14 =	vperm.xlane v13, v0  }
0x143: {  	v24 =	vld.idx.msk [tilespmem:v25+s26+$0x0], $0xffff  }
0x144: {  	v21 =	vld [tilespmem:s22+$0xFFFFFFE0];
	v23 =	vmax.f32 v13, v14  }
0x145: {  	v17 =	vld [tilespmem:s22+$0xFFFFFFD0];
	v13 =	vshra.s32 v15, $0x8;
	v28 =	vperm.xlane v23, v1;
	v16 =	vand.u32 $0xFF, v19  }
0x146: {  	v31 =	vld [tilespmem:s22+$0x20];
	v14 =	vshra.s32 v19, $0x8;
	v19 =	vand.u32 $0xFF, v15;
	v15 =	vmul.f32 v26, v8  }
0x147: {  	v48 =	vld [tilespmem:s22+$0x0];
	v23 =	vmax.f32 v23, v28  }
0x148: {  	v49 =	vld [tilespmem:s3+$0xFFFFFFA0];
	v22 =	vmul.f32 v22, v10;
	v29 =	vperm.xlane v23, v2;
	v24 =	vadd.f32 v24, v15  }
0x149: {  	v44 =	vld [tilespmem:s3+$0xFFFFFFB0]  }
0x14a: {  	v28 =	vand.u32 $0xFF, v20;
	v23 =	vmax.f32 v23, v29;
	v16 =	vld.idx.msk [tilespmem:v16+s25+$0x0], $0xffff;
	v55 =	vadd.f32 v22, v24  }
0x14b: {  	v18 =	vld [tilespmem:s3+$0xFFFFFFE0];
	v52 =	vand.u32 $0xFF, v17;
	v22 =	vmul.f32 v23, v11  }
0x14c: {  	v50 =	vand.u32 $0xFF, v21;
	v53 =	vld.idx.msk [tilespmem:v14+s26+$0x0], $0xffff;
	v24 =	vshra.s32 v21, $0x8;
	v21 =	vmul.f32 $2.000000030e-01, v55  }
0x14d: {  	v32 =	vld [tilespmem:s3+$0xFFFFFFF0];
	v15 =	vshra.s32 v17, $0x8;
	v22 =	vadd.f32 v22, v12  }
0x14e: {  	v17 =	vld.idx.msk [tilespmem:v19+s25+$0x0], $0xffff;
	v21 =	vmax.f32 v55, v21  }
0x14f: {  	v19 =	vld.idx.msk [tilespmem:v28+s25+$0x0], $0xffff;
	v28 =	vmul.f32 v16, v8;
	v21 =	vsub.f32 v21, v22  }
0x150: {  	v54 =	vand.u32 $0xFF, v48;
	v23 =	vld.idx.msk [tilespmem:v52+s25+$0x0], $0xffff  }
0x151: {  	v29 =	vld.idx.msk [tilespmem:v50+s25+$0x0], $0xffff;
	v57 =	vmul.f32 v18, v10;
	v37 =	vadd.f32 v53, v28;
	v60 =	vmul.f32 $1.442695020e+00, v21  }
0x152: {  	v58 =	vand.u32 $0xFF, v31;
	v56 =	vld.idx.msk [tilespmem:v15+s26+$0x0], $0xffff  }
0x153: {  	v51 =	vld.idx.msk [tilespmem:v13+s26+$0x0], $0xffff;
	v28 =	vshra.s32 v20, $0x8;
	v37 =	vadd.f32 v57, v37;
	(erf) = vpow2.f32 v60  }
0x154: {  	v33 =	vmul.f32 v49, v10;
	v20 =	vshra.s32 v48, $0x8;
	v59 =	vld.idx.msk [tilespmem:v24+s26+$0x0], $0xffff  }
0x155: {  	v40 =	vld [tilespmem:s3+$0xFFFFFFC0];
	v21 =	vshra.s32 v31, $0x8;
	v31 =	vmul.f32 v23, v8;
	v39 =	vmul.f32 $2.000000030e-01, v37  }
0x156: {  	v62 =	vmul.f32 v27, v10;
	v18 =	vld.idx.msk [tilespmem:v54+s25+$0x0], $0xffff;
	v45 =	vmul.f32 v17, v8  }
0x157: {  	v27 =	vld.idx.msk [tilespmem:v58+s25+$0x0], $0xffff;
	v43 =	vmul.f32 v29, v8;
	v31 =	vadd.f32 v56, v31;
	v61 =	vmax.f32 v37, v39  }
0x158: {  	v42 =	vmul.f32 v44, v10;
	v35 =	vadd.f32 v51, v45;
	v38 =	vld.idx.msk [tilespmem:v28+s26+$0x0], $0xffff;
	v63 =	vsub.f32 v61, v22  }
0x159: {  	v36 =	vmul.f32 v30, v10;
	v39 =	vadd.f32 v33, v31;
	v31 =	vadd.f32 v59, v43;
	v33 =	vld.idx.msk [tilespmem:v20+s26+$0x0], $0xffff  }
0x15a: {  	s7 =	sadd.s32 $0x1, s7;
	s4 =	simm.s32 $0x0;
	s5 =	simm.s32 $0x3FC0;
	v34 =	vmul.f32 v19, v8;
	v41 =	vadd.f32 v62, v35;
	v37 =	vmul.f32 $1.442695020e+00, v63;
	v35 =	vld.idx.msk [tilespmem:v21+s26+$0x0], $0xffff  }
.LBB2_7:
0x15b: {  	v43 =	vld [tilespmem:s5+$0x10];
	s4 =	sadd.s32 $0x8, s4;
	v44 =	vmul.f32 $2.000000030e-01, v39;
	v42 =	vadd.f32 v42, v31;
	v40 =	vmul.f32 v40, v10;
	s3 =	sadd.s32 $0x80, s3  }
0x15c: {  	v46 =	vmul.f32 v18, v8;
	v30 =	vld [tilespmem:s3+$0xFFFFFFD0];
	p0 =	slt.u32 s4, $0x98;
	v45 =	vmul.f32 $2.000000030e-01, v41;
	v47 =	vpop (erf)  }
0x15d: {  	v34 =	vadd.f32 v38, v34;
	v31 =	vld [tilespmem:s3+$0xFFFFFF90];
	v48 =	vmul.f32 $2.000000030e-01, v42;
	v26 =	vmul.f32 v47, v26  }
0x15e: {  	v39 =	vmax.f32 v39, v44;
	v38 =	vmax.f32 v41, v45;
	[tilespmem:v25+s28+$0x0] =	vst.idx.add.f32.msk $0xffff, v47  }
0x15f: {  	v39 =	vsub.f32 v39, v22;
	v34 =	vadd.f32 v40, v34;
	v41 =	vld [tilespmem:s5+$0x30];
	v42 =	vmax.f32 v42, v48  }
0x160: {  	v38 =	vsub.f32 v38, v22;
	v40 =	vld [tilespmem:s5+$0xFFFFFFC0];
	v42 =	vsub.f32 v42, v22;
	(erf) = vpow2.f32 v37  }
0x161: {  	v44 =	vadd.f32 v33, v46;
	v37 =	vmul.f32 $1.442695020e+00, v39;
	v39 =	vmul.f32 $2.000000030e-01, v34;
	[tilespmem:v25+s29+$0x0] =	vst.idx.add.f32.msk $0xffff, v26  }
0x162: {  	v33 =	vld [tilespmem:s5+$0xFFFFFFF0];
	v25 =	vmul.f32 $1.442695020e+00, v42  }
0x163: {  	v36 =	vadd.f32 v36, v44;
	v26 =	vmul.f32 $1.442695020e+00, v38;
	v34 =	vmax.f32 v34, v39;
	v42 =	vld [tilespmem:s5+$0xFFFFFFE0]  }
0x164: {  	v34 =	vsub.f32 v34, v22;
	v38 =	vld [tilespmem:s3+$0xFFFFFFE0];
	(erf) = vpow2.f32 v25  }
0x165: {  	v44 =	vmul.f32 $2.000000030e-01, v36;
	v39 =	vshra.s32 v40, $0x8;
	v25 =	vand.u32 $0xFF, v40;
	v40 =	vld [tilespmem:s5+$0x20]  }
0x166: {  	v46 =	vand.u32 $0xFF, v41;
	v50 =	vmul.f32 $1.442695020e+00, v34;
	v45 =	vld [tilespmem:s5+$0xFFFFFFD0]  }
0x167: {  	v36 =	vmax.f32 v36, v44;
	v47 =	vld [tilespmem:s3+$0x0];
	(erf) = vpow2.f32 v37  }
0x168: {  	v32 =	vmul.f32 v32, v10;
	v48 =	vmul.f32 v27, v8;
	v44 =	vand.u32 $0xFF, v43;
	v37 =	vld [tilespmem:s5+$0x0]  }
0x169: {  	v43 =	vshra.s32 v43, $0x8;
	v36 =	vsub.f32 v36, v22;
	v49 =	vld [tilespmem:s3+$0xFFFFFFA0];
	(erf) = vpow2.f32 v50;
	v34 =	vpop (erf)  }
0x16a: {  	v50 =	vld.idx.msk [tilespmem:v39+s26+$0x0], $0xffff;
	v51 =	vmul.f32 v34, v16;
	v16 =	vadd.f32 v35, v48;
	(erf) = vpow2.f32 v26  }
0x16b: {  	v36 =	vmul.f32 $1.442695020e+00, v36;
	v35 =	vld.idx.msk [tilespmem:v25+s25+$0x0], $0xffff;
	v48 =	vshra.s32 v45, $0x8  }
0x16c: {  	v26 =	vld.idx.msk [tilespmem:v46+s25+$0x0], $0xffff;
	v32 =	vadd.f32 v32, v16  }
0x16d: {  	v25 =	vshra.s32 v41, $0x8;
	v46 =	vand.u32 $0xFF, v33;
	v16 =	vld.idx.msk [tilespmem:v44+s25+$0x0], $0xffff;
	v41 =	vpop (erf)  }
0x16e: {  	v52 =	vand.u32 $0xFF, v40;
	v44 =	vshra.s32 v40, $0x8;
	v29 =	vmul.f32 v41, v29;
	[tilespmem:v14+s28+$0x0] =	vst.idx.add.f32.msk $0xffff, v34  }
0x16f: {  	v40 =	vand.u32 $0xFF, v37;
	v34 =	vand.u32 $0xFF, v45;
	[tilespmem:v24+s28+$0x0] =	vst.idx.add.f32.msk $0xffff, v41;
	v41 =	vmul.f32 $2.000000030e-01, v32  }
0x170: {  	v37 =	vshra.s32 v37, $0x8;
	[tilespmem:v24+s29+$0x0] =	vst.idx.add.f32.msk $0xffff, v29;
	v24 =	vpop (erf)  }
0x171: {  	[tilespmem:v15+s28+$0x0] =	vst.idx.add.f32.msk $0xffff, v24;
	v29 =	vmul.f32 v24, v23;
	v23 =	vmax.f32 v32, v41  }
0x172: {  	v32 =	vand.u32 $0xFF, v42;
	v41 =	vld.idx.msk [tilespmem:v25+s26+$0x0], $0xffff;
	v23 =	vsub.f32 v23, v22;
	v24 =	vpop (erf)  }
0x173: {  	v45 =	vmul.f32 v24, v19;
	v19 =	vld.idx.msk [tilespmem:v46+s25+$0x0], $0xffff;
	v46 =	vpop (erf);
	(erf) = vpow2.f32 v36  }
0x174: {  	[tilespmem:v28+s28+$0x0] =	vst.idx.add.f32.msk $0xffff, v24;
	v23 =	vmul.f32 $1.442695020e+00, v23  }
0x175: {  	v24 =	vshra.s32 v42, $0x8;
	[tilespmem:v13+s28+$0x0] =	vst.idx.add.f32.msk $0xffff, v46  }
0x176: {  	v36 =	vmul.f32 v26, v8;
	[tilespmem:v28+s29+$0x0] =	vst.idx.add.f32.msk $0xffff, v45;
	(erf) = vpow2.f32 v23  }
0x177: {  	v28 =	vmul.f32 v46, v17;
	v17 =	vmov v35;
	v23 =	vld.idx.msk [tilespmem:v34+s25+$0x0], $0xffff  }
0x178: {  	v36 =	vadd.f32 v41, v36;
	v41 =	vmul.f32 v47, v10;
	v35 =	vld.idx.msk [tilespmem:v43+s26+$0x0], $0xffff  }
0x179: {  	v34 =	vmul.f32 v19, v8;
	[tilespmem:v13+s29+$0x0] =	vst.idx.add.f32.msk $0xffff, v28;
	v13 =	vmov v39  }
0x17a: {  	v28 =	vadd.f32 v41, v36;
	[tilespmem:v15+s29+$0x0] =	vst.idx.add.f32.msk $0xffff, v29;
	v15 =	vmov v48  }
0x17b: {  	[tilespmem:v14+s29+$0x0] =	vst.idx.add.f32.msk $0xffff, v51;
	v14 =	vmov v43  }
0x17c: {  	v29 =	vld.idx.msk [tilespmem:v32+s25+$0x0], $0xffff;
	v32 =	vmul.f32 $2.000000030e-01, v28;
	v36 =	vpop (erf)  }
0x17d: {  	[tilespmem:v20+s28+$0x0] =	vst.idx.add.f32.msk $0xffff, v36  }
0x17e: {  	v39 =	vld.idx.msk [tilespmem:v48+s26+$0x0], $0xffff;
	v28 =	vmax.f32 v28, v32;
	v32 =	vmul.f32 v36, v18  }
0x17f: {  	v36 =	vmul.f32 v16, v8;
	v18 =	vld.idx.msk [tilespmem:v40+s25+$0x0], $0xffff;
	v28 =	vsub.f32 v28, v22;
	v40 =	vpop (erf)  }
0x180: {  	[tilespmem:v20+s29+$0x0] =	vst.idx.add.f32.msk $0xffff, v32;
	v27 =	vmul.f32 v40, v27;
	v20 =	vmov v37  }
0x181: {  	v32 =	vadd.f32 v35, v36;
	v35 =	vmul.f32 v38, v10;
	v36 =	vmul.f32 $1.442695020e+00, v28;
	[tilespmem:v21+s28+$0x0] =	vst.idx.add.f32.msk $0xffff, v40  }
0x182: {  	v37 =	vmul.f32 v29, v8;
	v28 =	vshra.s32 v33, $0x8;
	[tilespmem:v21+s29+$0x0] =	vst.idx.add.f32.msk $0xffff, v27;
	v21 =	vmov v44  }
0x183: {  	v27 =	vmul.f32 v17, v8;
	v35 =	vadd.f32 v35, v32;
	v33 =	vld.idx.msk [tilespmem:v24+s26+$0x0], $0xffff;
	(erf) = vpow2.f32 v36  }
0x184: {  	v36 =	vmul.f32 v23, v8;
	v41 =	vld [tilespmem:s3+$0xFFFFFFB0]  }
0x185: {  	v42 =	vmul.f32 $2.000000030e-01, v35;
	v32 =	vld [tilespmem:s3+$0xFFFFFFF0]  }
.Ltmp2:
0x186: {  	v43 =	vadd.f32 v50, v27;
	v36 =	vadd.f32 v39, v36;
	v40 =	vld [tilespmem:s3+$0xFFFFFFC0];
	(pc) =	sbr.rel @p0 .LBB2_7-.Ltmp2, $4  }
0x187: {  	v39 =	vmul.f32 v49, v10;
	v27 =	vmax.f32 v35, v42;
	v38 =	vld.idx.msk [tilespmem:v28+s26+$0x0], $0xffff  }
0x188: {  	v35 =	vmul.f32 v31, v10;
	v44 =	vsub.f32 v27, v22;
	v27 =	vld.idx.msk [tilespmem:v52+s25+$0x0], $0xffff  }
0x189: {  	v39 =	vadd.f32 v39, v36;
	v31 =	vadd.f32 v33, v37;
	v42 =	vmul.f32 v41, v10;
	v33 =	vld.idx.msk [tilespmem:v20+s26+$0x0], $0xffff  }
0x18a: {  	s5 =	sadd.s32 $0x80, s5;
	v36 =	vmul.f32 v30, v10;
	v41 =	vadd.f32 v35, v43;
	v37 =	vmul.f32 $1.442695020e+00, v44;
	v35 =	vld.idx.msk [tilespmem:v21+s26+$0x0], $0xffff  }
0x18b: {  	v30 =	vadd.f32 v42, v31;
	v59 =	vmul.f32 v40, v10  }
0x18c: {  	v61 =	vmul.f32 $2.000000030e-01, v39;
	v63 =	vmul.f32 v18, v8;
	v34 =	vadd.f32 v38, v34  }
0x18d: {  	v48 =	vmul.f32 v32, v10;
	v60 =	vmul.f32 $2.000000030e-01, v30  }
0x18e: {  	v62 =	vmul.f32 $2.000000030e-01, v41;
	(erf) = vpow2.f32 v37;
	v31 =	vadd.f32 v59, v34  }
0x18f: {  	v45 =	vmax.f32 v39, v61;
	v47 =	vmul.f32 v27, v8;
	v30 =	vmax.f32 v30, v60  }
0x190: {  	v33 =	vadd.f32 v33, v63;
	v30 =	vsub.f32 v30, v22;
	v46 =	vmul.f32 $2.000000030e-01, v31  }
0x191: {  	v34 =	vmax.f32 v41, v62;
	v38 =	vsub.f32 v45, v22;
	v49 =	vadd.f32 v35, v47  }
0x192: {  	v33 =	vadd.f32 v36, v33;
	v30 =	vmul.f32 $1.442695020e+00, v30;
	v31 =	vmax.f32 v31, v46  }
0x193: {  	v34 =	vsub.f32 v34, v22;
	v50 =	vmul.f32 $1.442695020e+00, v38;
	v31 =	vsub.f32 v31, v22  }
0x194: {  	v36 =	vmul.f32 $2.000000030e-01, v33;
	(erf) = vpow2.f32 v30;
	v30 =	vadd.f32 v48, v49  }
0x195: {  	v31 =	vmul.f32 $1.442695020e+00, v31;
	(erf) = vpow2.f32 v50  }
0x196: {  	v51 =	vmul.f32 $1.442695020e+00, v34;
	v33 =	vmax.f32 v33, v36;
	v52 =	vmul.f32 $2.000000030e-01, v30  }
0x197: {  	v33 =	vsub.f32 v33, v22;
	(erf) = vpow2.f32 v31  }
0x198: {  	v53 =	vpop (erf);
	(erf) = vpow2.f32 v51;
	v30 =	vmax.f32 v30, v52  }
0x199: {  	v26 =	vmul.f32 v53, v26;
	v56 =	vpop (erf);
	v54 =	vmul.f32 $1.442695020e+00, v33;
	v55 =	vsub.f32 v30, v22  }
0x19a: {  	[tilespmem:v25+s28+$0x0] =	vst.idx.add.f32.msk $0xffff, v53;
	v16 =	vmul.f32 v56, v16  }
0x19b: {  	[tilespmem:v25+s29+$0x0] =	vst.idx.add.f32.msk $0xffff, v26;
	(erf) = vpow2.f32 v54;
	v22 =	vmul.f32 $1.442695020e+00, v55  }
0x19c: {  	[tilespmem:v14+s28+$0x0] =	vst.idx.add.f32.msk $0xffff, v56  }
0x19d: {  	[tilespmem:v14+s29+$0x0] =	vst.idx.add.f32.msk $0xffff, v16;
	v57 =	vpop (erf);
	(erf) = vpow2.f32 v22  }
0x19e: {  	v58 =	vmul.f32 v57, v29;
	[tilespmem:v24+s28+$0x0] =	vst.idx.add.f32.msk $0xffff, v57;
	v59 =	vpop (erf)  }
0x19f: {  	[tilespmem:v15+s28+$0x0] =	vst.idx.add.f32.msk $0xffff, v59  }
0x1a0: {  	v22 =	vmul.f32 v59, v23;
	[tilespmem:v24+s29+$0x0] =	vst.idx.add.f32.msk $0xffff, v58;
	v60 =	vpop (erf)  }
0x1a1: {  	v61 =	vpop (erf);
	[tilespmem:v28+s28+$0x0] =	vst.idx.add.f32.msk $0xffff, v60  }
0x1a2: {  	[tilespmem:v15+s29+$0x0] =	vst.idx.add.f32.msk $0xffff, v22;
	v17 =	vmul.f32 v61, v17  }
0x1a3: {  	v19 =	vmul.f32 v60, v19;
	[tilespmem:v13+s28+$0x0] =	vst.idx.add.f32.msk $0xffff, v61  }
0x1a4: {  	[tilespmem:v13+s29+$0x0] =	vst.idx.add.f32.msk $0xffff, v17;
	v13 =	vpop (erf)  }
0x1a5: {  	[tilespmem:v28+s29+$0x0] =	vst.idx.add.f32.msk $0xffff, v19;
	v14 =	vmul.f32 v13, v18  }
0x1a6: {  	[tilespmem:v20+s28+$0x0] =	vst.idx.add.f32.msk $0xffff, v13;
	v13 =	vpop (erf)  }
0x1a7: {  	[tilespmem:v20+s29+$0x0] =	vst.idx.add.f32.msk $0xffff, v14;
	v14 =	vmul.f32 v13, v27  }
0x1a8: {  	[tilespmem:v21+s28+$0x0] =	vst.idx.add.f32.msk $0xffff, v13  }
0x1a9: {  	[tilespmem:v21+s29+$0x0] =	vst.idx.add.f32.msk $0xffff, v14  }
0x1aa: {  	v13 =	vld [tilespmem:$0x3C00];
	_ =	sdelay $0x1  }
0x1ab: {  	v14 =	vld [tilespmem:$0x3C10];
	_ =	sdelay $0x1  }
0x1ac: {  	v15 =	vld [tilespmem:$0x3C20]  }
0x1ad: {  	v13 =	vadd.f32 $9.999999710e-10, v13  }
0x1ae: {  	v16 =	vld [tilespmem:$0x3C30]  }
0x1af: {  	(erf) = vrcp.f32 v13;
	v13 =	vadd.f32 $9.999999710e-10, v14  }
0x1b0: {  	v14 =	vld [tilespmem:$0x3C40]  }
0x1b1: {  	(erf) = vrcp.f32 v13;
	v13 =	vadd.f32 $9.999999710e-10, v15;
	_ =	sdelay $0x1  }
0x1b2: {  	(erf) = vrcp.f32 v13;
	v13 =	vadd.f32 $9.999999710e-10, v16;
	_ =	sdelay $0x1  }
0x1b3: {  	v15 =	vld [tilespmem:$0x3C80];
	(erf) = vrcp.f32 v13;
	v13 =	vadd.f32 $9.999999710e-10, v14;
	_ =	sdelay $0x1  }
0x1b4: {  	v14 =	vld [tilespmem:$0x3C90]  }
0x1b5: {  	(erf) = vrcp.f32 v13  }
0x1b6: {  	v62 =	vld [tilespmem:$0x3CA0];
	v13 =	vpop (erf)  }
0x1b7: {  	v13 =	vmul.f32 v13, v15  }
0x1b8: {  	v17 =	vld [tilespmem:$0x3CB0];
	v15 =	vpop (erf)  }
0x1b9: {  	v14 =	vmul.f32 v15, v14;
	v13 =	vadd.f32 $0.0e+00, v13  }
0x1ba: {  	v63 =	vld [tilespmem:$0x3CC0];
	v15 =	vpop (erf)  }
0x1bb: {  	v13 =	vadd.f32 v14, v13;
	v14 =	vmul.f32 v15, v62  }
0x1bc: {  	v15 =	vpop (erf)  }
0x1bd: {  	v13 =	vadd.f32 v14, v13;
	v14 =	vmul.f32 v15, v17  }
0x1be: {  	v15 =	vpop (erf)  }
0x1bf: {  	v13 =	vadd.f32 v14, v13;
	v14 =	vmul.f32 v15, v63;
	_ =	sdelay $0x1  }
0x1c0: {  	v13 =	vadd.f32 v14, v13;
	_ =	sdelay $0x1  }
0x1c1: {  	v14 =	vperm.xlane v13, v3;
	_ =	sdelay $0x1  }
0x1c2: {  	v13 =	vadd.f32 v13, v14;
	_ =	sdelay $0x1  }
0x1c3: {  	v14 =	vperm.xlane v13, v0;
	_ =	sdelay $0x1  }
0x1c4: {  	v13 =	vadd.f32 v13, v14;
	_ =	sdelay $0x1  }
0x1c5: {  	v14 =	vperm.xlane v13, v1;
	_ =	sdelay $0x1  }
0x1c6: {  	v13 =	vadd.f32 v13, v14;
	_ =	sdelay $0x1  }
0x1c7: {  	v14 =	vperm.xlane v13, v2  }
0x1c8: {  	p0 =	sne.s32 s7, $0x20;
	v15 =	vmov s1  }
.Ltmp3:
0x1c9: {  	v13 =	vadd.f32 v13, v14;
	(pc) =	sbr.rel @p0 .LBB2_4-.Ltmp3, $3  }
0x1ca: {  	_ = 	snop  }
0x1cb: {  	v13 =	vmul.f32 $1.250000020e-02, v13;
	_ =	sdelay $0x1  }
0x1cc: {  	[tilespmem:v15+s30+$0x0] =	vst.idx.msk $0xffff, v13  }
0x1cd: {  	s2 =	sadd.s32 $0x1, s2  }
0x1ce: {  	p0 =	sne.s32 s2, s14  }
.Ltmp4:
0x1cf: {  	_ = 	snop;
	(pc) =	sbr.rel @p0 .LBB2_1-.Ltmp4, $4  }
0x1d0: {  	[hbm4b:s13+s9] =	stream.linear.scatter [tilespmem:s30], [sflag:$0x3], $0x40, $0x38;
	[tilespmem:$0x4900] =	vst v63  }
0x1d1: {  	_ =	swait.ge [sflag:s15], $0x40  }
0x1d2: {  	[sflag:s15] =	ssyncset.done $0x0  }
0x1d3: {  	[sflag:s15] =	ssyncadd.s32 $0xFFFFFFC0  }
0x1d4: {  	_ =	sfence.sel $0x180000  }
0x1d5: {  	[bflag:$0x0] =	sbarrier.arrive $0xFFFF  }
0x1d6: {  	_ =	strace $0x90000047  }
0x1d7: {  	s0 =	stileid.u32;
	[bflag:$0x2] =	sbarrier.arrive $0xFFFF  }
0x1d8: {  	p0 =	sne.s32 s0, $0x0;
	s0 =	rddreg [dreg:$0x9]  }
0x1d9: {  	s0 =	sadd.s32 @!p0 $0x100000, s0  }
0x1da: {  	[sflag:s0] =	ssyncadd.tile.s32 @!p0 $0x1;
	_ =	shalt  }
.Lfunc_end2:
_tile_overlayer_lowered:
.L_overlay_start_2:
0x1db: {  	(tag) =	ssettag $0x2  }
0x1dc: {  	s0 =	rddreg [dreg:$0x0];
	s2 =	stileid.u32  }
0x1dd: {  	s1 =	rddreg [dreg:$0x1];
	p0 =	sne.s32 s2, $0x0  }
0x1de: {  	s3 =	rddreg [dreg:$0x2];
	[bflag:$0x3] =	sbarrier.arrive $0xFFFF;
	s2 =	simm.s32 @!p0 $0x1C03  }
0x1df: {  	[timem:s3], [sflag:s2] =	dma.local @!p0 [hbm:s0], s1  }
0x1e0: {  	s0 =	simm.s32 @!p0 $0x3  }
0x1e1: {  	_ =	swait.ge @!p0 [sflag:s0], s1  }
0x1e2: {  	s1 =	ssub.s32 @!p0 $0x0, s1;
	[sflag:s0] =	ssyncset.done @!p0 $0x0  }
0x1e3: {  	[sflag:s0] =	ssyncadd.s32 @!p0 s1  }
0x1e4: {  	[bflag:$0x3] =	sbarrier.arrive $0xFFFF  }
0x1e5: {  	_ =	shalt  }

</sc_bundles>
